<compile_context>
chip_gen: v7x
topology: tpu7x:2x2x1
jax: 0.10.2.dev20260603
libtpu: 0.0.44.dev20260713+nightly
codegen_flags: <defaults>
</compile_context>

<pallas_src>
import functools

import jax
import jax.numpy as jnp
from jax import lax
from jax.experimental import pallas as pl
from jax.experimental.pallas import tpu as pltpu
from jax.experimental.pallas import tpu_sc as plsc

N_ROWS = 16384
N_COLS = 512
N_SEL = 64
STRIDE = 8
LANES = 16

NUM_CORES = 2
NUM_SUBCORES = 16
NW = NUM_CORES * NUM_SUBCORES

ROWS_PER_W = N_ROWS // NW
CH_ROWS = 64
N_CH = ROWS_PER_W // CH_ROWS
OUT_ROWS = 2 * CH_ROWS
RGRP = CH_ROWS // LANES

_mesh = plsc.VectorSubcoreMesh(core_axis_name="c", subcore_axis_name="s")


@functools.partial(
    pl.kernel,
    out_type=jax.ShapeDtypeStruct((N_SEL, N_ROWS), jnp.float32),
    mesh=_mesh,
    compiler_params=pltpu.CompilerParams(needs_layout_passes=False),
    scratch_types=[
        pltpu.VMEM((CH_ROWS, N_COLS), jnp.float32),
        pltpu.VMEM((CH_ROWS, N_COLS), jnp.float32),
        pltpu.VMEM((CH_ROWS, N_COLS), jnp.float32),
        pltpu.VMEM((N_SEL, OUT_ROWS), jnp.float32),
        pltpu.VMEM((N_SEL, OUT_ROWS), jnp.float32),
        pltpu.SemaphoreType.DMA,
        pltpu.SemaphoreType.DMA,
        pltpu.SemaphoreType.DMA,
        pltpu.SemaphoreType.DMA,
        pltpu.SemaphoreType.DMA,
    ],
)
def _dimred_sc_t(x_hbm, out_hbm, in0, in1, in2, o0, o1, si0, si1, si2, so0, so1):
    wid = lax.axis_index("s") * NUM_CORES + lax.axis_index("c")
    row_base = wid * ROWS_PER_W

    in_bufs = (in0, in1, in2)
    out_bufs = (o0, o1)
    in_sems = (si0, si1, si2)
    out_sems = (so0, so1)
    NBUF = 3

    lane = lax.iota(jnp.int32, LANES)

    def start_in(t):
        return pltpu.async_copy(
            x_hbm.at[pl.ds(row_base + t * CH_ROWS, CH_ROWS), :],
            in_bufs[t % NBUF],
            in_sems[t % NBUF],
        )

    in_pending = [start_in(0), start_in(1)]
    out_pending = [None, None]

    for t in range(N_CH):
        b = t % NBUF
        rb, half = divmod(t, 2)
        ob = rb % 2
        if t + 2 < N_CH:
            in_pending.append(start_in(t + 2))
        in_pending.pop(0).wait()
        if half == 0 and out_pending[ob] is not None:
            out_pending[ob].wait()

        cur_in = in_bufs[b]
        cur_out = out_bufs[ob]

        @plsc.parallel_loop(0, N_SEL, unroll=2)
        def _gather(j):
            cidx = jnp.full((LANES,), j * STRIDE, jnp.int32)
            for v in range(RGRP):
                cur_out[j, pl.ds(half * CH_ROWS + v * LANES, LANES)] = (
                    plsc.load_gather(cur_in, [lane + v * LANES, cidx])
                )

        if half == 1:
            out_pending[ob] = pltpu.async_copy(
                cur_out,
                out_hbm.at[:, pl.ds(row_base + rb * OUT_ROWS, OUT_ROWS)],
                out_sems[ob],
            )

    for h in out_pending:
        if h is not None:
            h.wait()


def kernel(x):
    return _dimred_sc_t(x).T

# --- scband reference (transcript-rebuilt; emitter-appended) ---
"""Pipeline reference for scband-dimensionality-reduction-38199439130788 (READ-ONLY COPY).

The authoritative reference and input builder live on the scoring server;
editing this copy changes nothing except your own understanding.
"""

import jax, jax.numpy as jnp
import numpy as np

COLUMNS = np.arange(0, 512, 8, dtype=np.int32)  # 64 selected columns, mirrors init columns kwarg (numpy to keep module import free of eager jax ops for mock-mode tooling; semantics identical)

def setup_inputs(seed: int = 0) -> dict:
    key = jax.random.key(seed)
    x = jax.random.normal(key, (16384, 512), dtype=jnp.float32)
    return {"x": x}

def reference(x):
    # forward: reduced_x = x[:, self.columns].squeeze()
    reduced_x = jnp.take(x, COLUMNS, axis=1)
    return jnp.squeeze(reduced_x)

if __name__ == "__main__":
    import jax
    _d = setup_inputs()
    print(jax.jit(kernel)(*tuple(_d.values())))

</pallas_src>

<mosaic_0001>
#map = affine_map<(d0, d1) -> (0, 0)>
module attributes {stable_mosaic.version = 14 : i64} {
  func.func @_dimred_sc_t(%arg0: i32, %arg1: i32, %arg2: memref<16384x512xf32, #tpu.memory_space<hbm>>, %arg3: memref<64x16384xf32, #tpu.memory_space<hbm>>, %arg4: memref<64x512xf32, #tpu.memory_space<vmem>>, %arg5: memref<64x512xf32, #tpu.memory_space<vmem>>, %arg6: memref<64x512xf32, #tpu.memory_space<vmem>>, %arg7: memref<64x128xf32, #tpu.memory_space<vmem>>, %arg8: memref<64x128xf32, #tpu.memory_space<vmem>>, %arg9: memref<!tpu.dma_semaphore, #tpu.memory_space<semaphore_mem>>, %arg10: memref<!tpu.dma_semaphore, #tpu.memory_space<semaphore_mem>>, %arg11: memref<!tpu.dma_semaphore, #tpu.memory_space<semaphore_mem>>, %arg12: memref<!tpu.dma_semaphore, #tpu.memory_space<semaphore_mem>>, %arg13: memref<!tpu.dma_semaphore, #tpu.memory_space<semaphore_mem>>) attributes {dimension_semantics = [#tpu.dimension_semantics<core_parallel>, #tpu.dimension_semantics<subcore_parallel>], iteration_bounds = array<i64: 2, 16>, scalar_prefetch = 0 : i64, scratch_operands = 10 : i64, tpu.core_type = #tpu.core_type<sc_vector_subcore>, window_params = [{transform_indices = #map}, {transform_indices = #map}]} {
    %mul3A = arith.constant 2 : i32
    %mul3A_0 = arith.muli %arg1, %mul3A : i32
    %add3A = arith.addi %mul3A_0, %arg0 : i32
    %mul3A_1 = arith.constant 512 : i32
    %mul3A_2 = arith.muli %add3A, %mul3A_1 : i32
    %iota3A = tpu.iota {dimensions = array<i32: 0>} : vector<16xi32>
    %add3A_3 = arith.constant 0 : i32
    %add3A_4 = arith.addi %mul3A_2, %add3A_3 : i32
    %dma_start3A = arith.constant 0 : i32
    %dma_start3A_5 = tpu.memref_slice %arg2[%add3A_4, %dma_start3A] : memref<16384x512xf32, #tpu.memory_space<hbm>> -> memref<64x512xf32, #tpu.memory_space<hbm>>
    %dma_start3A_6 = arith.constant 0 : i32
    %dma_start3A_7 = tpu.memref_slice %arg2[%add3A_4, %dma_start3A_6] : memref<16384x512xf32, #tpu.memory_space<hbm>> -> memref<64x512xf32, #tpu.memory_space<hbm>>
    tpu.enqueue_dma source(%dma_start3A_7 : memref<64x512xf32, #tpu.memory_space<hbm>>) target(%arg4 : memref<64x512xf32, #tpu.memory_space<vmem>>) target_semaphore(%arg9 : memref<!tpu.dma_semaphore, #tpu.memory_space<semaphore_mem>>)
    %add3A_8 = arith.constant 64 : i32
    %add3A_9 = arith.addi %mul3A_2, %add3A_8 : i32
    %dma_start3A_10 = arith.constant 0 : i32
    %dma_start3A_11 = tpu.memref_slice %arg2[%add3A_9, %dma_start3A_10] : memref<16384x512xf32, #tpu.memory_space<hbm>> -> memref<64x512xf32, #tpu.memory_space<hbm>>
    %dma_start3A_12 = arith.constant 0 : i32
    %dma_start3A_13 = tpu.memref_slice %arg2[%add3A_9, %dma_start3A_12] : memref<16384x512xf32, #tpu.memory_space<hbm>> -> memref<64x512xf32, #tpu.memory_space<hbm>>
    tpu.enqueue_dma source(%dma_start3A_13 : memref<64x512xf32, #tpu.memory_space<hbm>>) target(%arg5 : memref<64x512xf32, #tpu.memory_space<vmem>>) target_semaphore(%arg10 : memref<!tpu.dma_semaphore, #tpu.memory_space<semaphore_mem>>)
    %add3A_14 = arith.constant 128 : i32
    %add3A_15 = arith.addi %mul3A_2, %add3A_14 : i32
    %dma_start3A_16 = arith.constant 0 : i32
    %dma_start3A_17 = tpu.memref_slice %arg2[%add3A_15, %dma_start3A_16] : memref<16384x512xf32, #tpu.memory_space<hbm>> -> memref<64x512xf32, #tpu.memory_space<hbm>>
    %dma_start3A_18 = arith.constant 0 : i32
    %dma_start3A_19 = tpu.memref_slice %arg2[%add3A_15, %dma_start3A_18] : memref<16384x512xf32, #tpu.memory_space<hbm>> -> memref<64x512xf32, #tpu.memory_space<hbm>>
    tpu.enqueue_dma source(%dma_start3A_19 : memref<64x512xf32, #tpu.memory_space<hbm>>) target(%arg6 : memref<64x512xf32, #tpu.memory_space<vmem>>) target_semaphore(%arg11 : memref<!tpu.dma_semaphore, #tpu.memory_space<semaphore_mem>>)
    %dma_wait3A = arith.constant 0 : i32
    %dma_wait3A_20 = tpu.memref_slice %arg2[%add3A_4, %dma_wait3A] : memref<16384x512xf32, #tpu.memory_space<hbm>> -> memref<64x512xf32, #tpu.memory_space<hbm>>
    %dma_wait3A_21 = arith.constant 0 : i32
    %dma_wait3A_22 = tpu.memref_slice %arg2[%add3A_4, %dma_wait3A_21] : memref<16384x512xf32, #tpu.memory_space<hbm>> -> memref<64x512xf32, #tpu.memory_space<hbm>>
    tpu.wait_dma2 semaphore(%arg9 : memref<!tpu.dma_semaphore, #tpu.memory_space<semaphore_mem>>) src(%dma_wait3A_22 : memref<64x512xf32, #tpu.memory_space<hbm>>) dst(%arg4 : memref<64x512xf32, #tpu.memory_space<vmem>>)
    %parallel_loop3A = arith.constant 0 : i32
    %parallel_loop3A_23 = arith.constant 64 : i32
    %parallel_loop3A_24 = arith.constant 1 : i32
    scf.for %parallel_loop3A_144 = %parallel_loop3A to %parallel_loop3A_23 step %parallel_loop3A_24  : i32 {
      %parallel_loop3A_145 = arith.constant 8 : i32
      %parallel_loop3A_146 = arith.muli %parallel_loop3A_144, %parallel_loop3A_145 : i32
      %parallel_loop3A_147 = vector.broadcast %parallel_loop3A_146 : i32 to vector<16xi32>
      %parallel_loop3A_148 = arith.constant 0 : i32
      %parallel_loop3A_149 = vector.broadcast %parallel_loop3A_148 : i32 to vector<16xi32>
      %parallel_loop3A_150 = arith.addi %iota3A, %parallel_loop3A_149 : vector<16xi32>
      %parallel_loop3A_151 = tpu.vector_load_idx %arg4[%parallel_loop3A_150, %parallel_loop3A_147] : memref<64x512xf32, #tpu.memory_space<vmem>>[vector<16xi32>, vector<16xi32>], vector<16xf32>,
      %parallel_loop3A_152 = arith.index_cast %parallel_loop3A_144 : i32 to index
      %parallel_loop3A_153 = arith.constant 0 : index
      %parallel_loop3A_154 = tpu.vector_load %arg7[%parallel_loop3A_152, %parallel_loop3A_153] {strides = array<i32>} : memref<64x128xf32, #tpu.memory_space<vmem>>, vector<16xf32>,
      tpu.vector_store %arg7[%parallel_loop3A_152, %parallel_loop3A_153], %parallel_loop3A_151 {strides = array<i32>} : memref<64x128xf32, #tpu.memory_space<vmem>>, vector<16xf32>,
      %parallel_loop3A_155 = arith.constant 16 : i32
      %parallel_loop3A_156 = vector.broadcast %parallel_loop3A_155 : i32 to vector<16xi32>
      %parallel_loop3A_157 = arith.addi %iota3A, %parallel_loop3A_156 : vector<16xi32>
      %parallel_loop3A_158 = tpu.vector_load_idx %arg4[%parallel_loop3A_157, %parallel_loop3A_147] : memref<64x512xf32, #tpu.memory_space<vmem>>[vector<16xi32>, vector<16xi32>], vector<16xf32>,
      %parallel_loop3A_159 = arith.index_cast %parallel_loop3A_144 : i32 to index
      %parallel_loop3A_160 = arith.constant 16 : index
      %parallel_loop3A_161 = tpu.vector_load %arg7[%parallel_loop3A_159, %parallel_loop3A_160] {strides = array<i32>} : memref<64x128xf32, #tpu.memory_space<vmem>>, vector<16xf32>,
      tpu.vector_store %arg7[%parallel_loop3A_159, %parallel_loop3A_160], %parallel_loop3A_158 {strides = array<i32>} : memref<64x128xf32, #tpu.memory_space<vmem>>, vector<16xf32>,
      %parallel_loop3A_162 = arith.constant 32 : i32
      %parallel_loop3A_163 = vector.broadcast %parallel_loop3A_162 : i32 to vector<16xi32>
      %parallel_loop3A_164 = arith.addi %iota3A, %parallel_loop3A_163 : vector<16xi32>
      %parallel_loop3A_165 = tpu.vector_load_idx %arg4[%parallel_loop3A_164, %parallel_loop3A_147] : memref<64x512xf32, #tpu.memory_space<vmem>>[vector<16xi32>, vector<16xi32>], vector<16xf32>,
      %parallel_loop3A_166 = arith.index_cast %parallel_loop3A_144 : i32 to index
      %parallel_loop3A_167 = arith.constant 32 : index
      %parallel_loop3A_168 = tpu.vector_load %arg7[%parallel_loop3A_166, %parallel_loop3A_167] {strides = array<i32>} : memref<64x128xf32, #tpu.memory_space<vmem>>, vector<16xf32>,
      tpu.vector_store %arg7[%parallel_loop3A_166, %parallel_loop3A_167], %parallel_loop3A_165 {strides = array<i32>} : memref<64x128xf32, #tpu.memory_space<vmem>>, vector<16xf32>,
      %parallel_loop3A_169 = arith.constant 48 : i32
      %parallel_loop3A_170 = vector.broadcast %parallel_loop3A_169 : i32 to vector<16xi32>
      %parallel_loop3A_171 = arith.addi %iota3A, %parallel_loop3A_170 : vector<16xi32>
      %parallel_loop3A_172 = tpu.vector_load_idx %arg4[%parallel_loop3A_171, %parallel_loop3A_147] : memref<64x512xf32, #tpu.memory_space<vmem>>[vector<16xi32>, vector<16xi32>], vector<16xf32>,
      %parallel_loop3A_173 = arith.index_cast %parallel_loop3A_144 : i32 to index
      %parallel_loop3A_174 = arith.constant 48 : index
      %parallel_loop3A_175 = tpu.vector_load %arg7[%parallel_loop3A_173, %parallel_loop3A_174] {strides = array<i32>} : memref<64x128xf32, #tpu.memory_space<vmem>>, vector<16xf32>,
      tpu.vector_store %arg7[%parallel_loop3A_173, %parallel_loop3A_174], %parallel_loop3A_172 {strides = array<i32>} : memref<64x128xf32, #tpu.memory_space<vmem>>, vector<16xf32>,
    } {sc.loop_unroll_factor = 2 : i64, sc.parallel_access}
    %add3A_25 = arith.constant 192 : i32
    %add3A_26 = arith.addi %mul3A_2, %add3A_25 : i32
    %dma_start3A_27 = arith.constant 0 : i32
    %dma_start3A_28 = tpu.memref_slice %arg2[%add3A_26, %dma_start3A_27] : memref<16384x512xf32, #tpu.memory_space<hbm>> -> memref<64x512xf32, #tpu.memory_space<hbm>>
    %dma_start3A_29 = arith.constant 0 : i32
    %dma_start3A_30 = tpu.memref_slice %arg2[%add3A_26, %dma_start3A_29] : memref<16384x512xf32, #tpu.memory_space<hbm>> -> memref<64x512xf32, #tpu.memory_space<hbm>>
    tpu.enqueue_dma source(%dma_start3A_30 : memref<64x512xf32, #tpu.memory_space<hbm>>) target(%arg4 : memref<64x512xf32, #tpu.memory_space<vmem>>) target_semaphore(%arg9 : memref<!tpu.dma_semaphore, #tpu.memory_space<semaphore_mem>>)
    %dma_wait3A_31 = arith.constant 0 : i32
    %dma_wait3A_32 = tpu.memref_slice %arg2[%add3A_9, %dma_wait3A_31] : memref<16384x512xf32, #tpu.memory_space<hbm>> -> memref<64x512xf32, #tpu.memory_space<hbm>>
    %dma_wait3A_33 = arith.constant 0 : i32
    %dma_wait3A_34 = tpu.memref_slice %arg2[%add3A_9, %dma_wait3A_33] : memref<16384x512xf32, #tpu.memory_space<hbm>> -> memref<64x512xf32, #tpu.memory_space<hbm>>
    tpu.wait_dma2 semaphore(%arg10 : memref<!tpu.dma_semaphore, #tpu.memory_space<semaphore_mem>>) src(%dma_wait3A_34 : memref<64x512xf32, #tpu.memory_space<hbm>>) dst(%arg5 : memref<64x512xf32, #tpu.memory_space<vmem>>)
    %parallel_loop3A_35 = arith.constant 0 : i32
    %parallel_loop3A_36 = arith.constant 64 : i32
    %parallel_loop3A_37 = arith.constant 1 : i32
    scf.for %parallel_loop3A_144 = %parallel_loop3A_35 to %parallel_loop3A_36 step %parallel_loop3A_37  : i32 {
      %parallel_loop3A_145 = arith.constant 8 : i32
      %parallel_loop3A_146 = arith.muli %parallel_loop3A_144, %parallel_loop3A_145 : i32
      %parallel_loop3A_147 = vector.broadcast %parallel_loop3A_146 : i32 to vector<16xi32>
      %parallel_loop3A_148 = arith.constant 0 : i32
      %parallel_loop3A_149 = vector.broadcast %parallel_loop3A_148 : i32 to vector<16xi32>
      %parallel_loop3A_150 = arith.addi %iota3A, %parallel_loop3A_149 : vector<16xi32>
      %parallel_loop3A_151 = tpu.vector_load_idx %arg5[%parallel_loop3A_150, %parallel_loop3A_147] : memref<64x512xf32, #tpu.memory_space<vmem>>[vector<16xi32>, vector<16xi32>], vector<16xf32>,
      %parallel_loop3A_152 = arith.index_cast %parallel_loop3A_144 : i32 to index
      %parallel_loop3A_153 = arith.constant 64 : index
      %parallel_loop3A_154 = tpu.vector_load %arg7[%parallel_loop3A_152, %parallel_loop3A_153] {strides = array<i32>} : memref<64x128xf32, #tpu.memory_space<vmem>>, vector<16xf32>,
      tpu.vector_store %arg7[%parallel_loop3A_152, %parallel_loop3A_153], %parallel_loop3A_151 {strides = array<i32>} : memref<64x128xf32, #tpu.memory_space<vmem>>, vector<16xf32>,
      %parallel_loop3A_155 = arith.constant 16 : i32
      %parallel_loop3A_156 = vector.broadcast %parallel_loop3A_155 : i32 to vector<16xi32>
      %parallel_loop3A_157 = arith.addi %iota3A, %parallel_loop3A_156 : vector<16xi32>
      %parallel_loop3A_158 = tpu.vector_load_idx %arg5[%parallel_loop3A_157, %parallel_loop3A_147] : memref<64x512xf32, #tpu.memory_space<vmem>>[vector<16xi32>, vector<16xi32>], vector<16xf32>,
      %parallel_loop3A_159 = arith.index_cast %parallel_loop3A_144 : i32 to index
      %parallel_loop3A_160 = arith.constant 80 : index
      %parallel_loop3A_161 = tpu.vector_load %arg7[%parallel_loop3A_159, %parallel_loop3A_160] {strides = array<i32>} : memref<64x128xf32, #tpu.memory_space<vmem>>, vector<16xf32>,
      tpu.vector_store %arg7[%parallel_loop3A_159, %parallel_loop3A_160], %parallel_loop3A_158 {strides = array<i32>} : memref<64x128xf32, #tpu.memory_space<vmem>>, vector<16xf32>,
      %parallel_loop3A_162 = arith.constant 32 : i32
      %parallel_loop3A_163 = vector.broadcast %parallel_loop3A_162 : i32 to vector<16xi32>
      %parallel_loop3A_164 = arith.addi %iota3A, %parallel_loop3A_163 : vector<16xi32>
      %parallel_loop3A_165 = tpu.vector_load_idx %arg5[%parallel_loop3A_164, %parallel_loop3A_147] : memref<64x512xf32, #tpu.memory_space<vmem>>[vector<16xi32>, vector<16xi32>], vector<16xf32>,
      %parallel_loop3A_166 = arith.index_cast %parallel_loop3A_144 : i32 to index
      %parallel_loop3A_167 = arith.constant 96 : index
      %parallel_loop3A_168 = tpu.vector_load %arg7[%parallel_loop3A_166, %parallel_loop3A_167] {strides = array<i32>} : memref<64x128xf32, #tpu.memory_space<vmem>>, vector<16xf32>,
      tpu.vector_store %arg7[%parallel_loop3A_166, %parallel_loop3A_167], %parallel_loop3A_165 {strides = array<i32>} : memref<64x128xf32, #tpu.memory_space<vmem>>, vector<16xf32>,
      %parallel_loop3A_169 = arith.constant 48 : i32
      %parallel_loop3A_170 = vector.broadcast %parallel_loop3A_169 : i32 to vector<16xi32>
      %parallel_loop3A_171 = arith.addi %iota3A, %parallel_loop3A_170 : vector<16xi32>
      %parallel_loop3A_172 = tpu.vector_load_idx %arg5[%parallel_loop3A_171, %parallel_loop3A_147] : memref<64x512xf32, #tpu.memory_space<vmem>>[vector<16xi32>, vector<16xi32>], vector<16xf32>,
      %parallel_loop3A_173 = arith.index_cast %parallel_loop3A_144 : i32 to index
      %parallel_loop3A_174 = arith.constant 112 : index
      %parallel_loop3A_175 = tpu.vector_load %arg7[%parallel_loop3A_173, %parallel_loop3A_174] {strides = array<i32>} : memref<64x128xf32, #tpu.memory_space<vmem>>, vector<16xf32>,
      tpu.vector_store %arg7[%parallel_loop3A_173, %parallel_loop3A_174], %parallel_loop3A_172 {strides = array<i32>} : memref<64x128xf32, #tpu.memory_space<vmem>>, vector<16xf32>,
    } {sc.loop_unroll_factor = 2 : i64, sc.parallel_access}
    %add3A_38 = arith.constant 0 : i32
    %add3A_39 = arith.addi %mul3A_2, %add3A_38 : i32
    %dma_start3A_40 = arith.constant 0 : i32
    %dma_start3A_41 = tpu.memref_slice %arg3[%dma_start3A_40, %add3A_39] : memref<64x16384xf32, #tpu.memory_space<hbm>> -> memref<64x128xf32, #tpu.memory_space<hbm>>
    %dma_start3A_42 = arith.constant 0 : i32
    %dma_start3A_43 = tpu.memref_slice %arg3[%dma_start3A_42, %add3A_39] : memref<64x16384xf32, #tpu.memory_space<hbm>> -> memref<64x128xf32, #tpu.memory_space<hbm>>
    tpu.enqueue_dma source(%arg7 : memref<64x128xf32, #tpu.memory_space<vmem>>) target(%dma_start3A_43 : memref<64x128xf32, #tpu.memory_space<hbm>>) target_semaphore(%arg12 : memref<!tpu.dma_semaphore, #tpu.memory_space<semaphore_mem>>)
    %add3A_44 = arith.constant 256 : i32
    %add3A_45 = arith.addi %mul3A_2, %add3A_44 : i32
    %dma_start3A_46 = arith.constant 0 : i32
    %dma_start3A_47 = tpu.memref_slice %arg2[%add3A_45, %dma_start3A_46] : memref<16384x512xf32, #tpu.memory_space<hbm>> -> memref<64x512xf32, #tpu.memory_space<hbm>>
    %dma_start3A_48 = arith.constant 0 : i32
    %dma_start3A_49 = tpu.memref_slice %arg2[%add3A_45, %dma_start3A_48] : memref<16384x512xf32, #tpu.memory_space<hbm>> -> memref<64x512xf32, #tpu.memory_space<hbm>>
    tpu.enqueue_dma source(%dma_start3A_49 : memref<64x512xf32, #tpu.memory_space<hbm>>) target(%arg5 : memref<64x512xf32, #tpu.memory_space<vmem>>) target_semaphore(%arg10 : memref<!tpu.dma_semaphore, #tpu.memory_space<semaphore_mem>>)
    %dma_wait3A_50 = arith.constant 0 : i32
    %dma_wait3A_51 = tpu.memref_slice %arg2[%add3A_15, %dma_wait3A_50] : memref<16384x512xf32, #tpu.memory_space<hbm>> -> memref<64x512xf32, #tpu.memory_space<hbm>>
    %dma_wait3A_52 = arith.constant 0 : i32
    %dma_wait3A_53 = tpu.memref_slice %arg2[%add3A_15, %dma_wait3A_52] : memref<16384x512xf32, #tpu.memory_space<hbm>> -> memref<64x512xf32, #tpu.memory_space<hbm>>
    tpu.wait_dma2 semaphore(%arg11 : memref<!tpu.dma_semaphore, #tpu.memory_space<semaphore_mem>>) src(%dma_wait3A_53 : memref<64x512xf32, #tpu.memory_space<hbm>>) dst(%arg6 : memref<64x512xf32, #tpu.memory_space<vmem>>)
    %parallel_loop3A_54 = arith.constant 0 : i32
    %parallel_loop3A_55 = arith.constant 64 : i32
    %parallel_loop3A_56 = arith.constant 1 : i32
    scf.for %parallel_loop3A_144 = %parallel_loop3A_54 to %parallel_loop3A_55 step %parallel_loop3A_56  : i32 {
      %parallel_loop3A_145 = arith.constant 8 : i32
      %parallel_loop3A_146 = arith.muli %parallel_loop3A_144, %parallel_loop3A_145 : i32
      %parallel_loop3A_147 = vector.broadcast %parallel_loop3A_146 : i32 to vector<16xi32>
      %parallel_loop3A_148 = arith.constant 0 : i32
      %parallel_loop3A_149 = vector.broadcast %parallel_loop3A_148 : i32 to vector<16xi32>
      %parallel_loop3A_150 = arith.addi %iota3A, %parallel_loop3A_149 : vector<16xi32>
      %parallel_loop3A_151 = tpu.vector_load_idx %arg6[%parallel_loop3A_150, %parallel_loop3A_147] : memref<64x512xf32, #tpu.memory_space<vmem>>[vector<16xi32>, vector<16xi32>], vector<16xf32>,
      %parallel_loop3A_152 = arith.index_cast %parallel_loop3A_144 : i32 to index
      %parallel_loop3A_153 = arith.constant 0 : index
      %parallel_loop3A_154 = tpu.vector_load %arg8[%parallel_loop3A_152, %parallel_loop3A_153] {strides = array<i32>} : memref<64x128xf32, #tpu.memory_space<vmem>>, vector<16xf32>,
      tpu.vector_store %arg8[%parallel_loop3A_152, %parallel_loop3A_153], %parallel_loop3A_151 {strides = array<i32>} : memref<64x128xf32, #tpu.memory_space<vmem>>, vector<16xf32>,
      %parallel_loop3A_155 = arith.constant 16 : i32
      %parallel_loop3A_156 = vector.broadcast %parallel_loop3A_155 : i32 to vector<16xi32>
      %parallel_loop3A_157 = arith.addi %iota3A, %parallel_loop3A_156 : vector<16xi32>
      %parallel_loop3A_158 = tpu.vector_load_idx %arg6[%parallel_loop3A_157, %parallel_loop3A_147] : memref<64x512xf32, #tpu.memory_space<vmem>>[vector<16xi32>, vector<16xi32>], vector<16xf32>,
      %parallel_loop3A_159 = arith.index_cast %parallel_loop3A_144 : i32 to index
      %parallel_loop3A_160 = arith.constant 16 : index
      %parallel_loop3A_161 = tpu.vector_load %arg8[%parallel_loop3A_159, %parallel_loop3A_160] {strides = array<i32>} : memref<64x128xf32, #tpu.memory_space<vmem>>, vector<16xf32>,
      tpu.vector_store %arg8[%parallel_loop3A_159, %parallel_loop3A_160], %parallel_loop3A_158 {strides = array<i32>} : memref<64x128xf32, #tpu.memory_space<vmem>>, vector<16xf32>,
      %parallel_loop3A_162 = arith.constant 32 : i32
      %parallel_loop3A_163 = vector.broadcast %parallel_loop3A_162 : i32 to vector<16xi32>
      %parallel_loop3A_164 = arith.addi %iota3A, %parallel_loop3A_163 : vector<16xi32>
      %parallel_loop3A_165 = tpu.vector_load_idx %arg6[%parallel_loop3A_164, %parallel_loop3A_147] : memref<64x512xf32, #tpu.memory_space<vmem>>[vector<16xi32>, vector<16xi32>], vector<16xf32>,
      %parallel_loop3A_166 = arith.index_cast %parallel_loop3A_144 : i32 to index
      %parallel_loop3A_167 = arith.constant 32 : index
      %parallel_loop3A_168 = tpu.vector_load %arg8[%parallel_loop3A_166, %parallel_loop3A_167] {strides = array<i32>} : memref<64x128xf32, #tpu.memory_space<vmem>>, vector<16xf32>,
      tpu.vector_store %arg8[%parallel_loop3A_166, %parallel_loop3A_167], %parallel_loop3A_165 {strides = array<i32>} : memref<64x128xf32, #tpu.memory_space<vmem>>, vector<16xf32>,
      %parallel_loop3A_169 = arith.constant 48 : i32
      %parallel_loop3A_170 = vector.broadcast %parallel_loop3A_169 : i32 to vector<16xi32>
      %parallel_loop3A_171 = arith.addi %iota3A, %parallel_loop3A_170 : vector<16xi32>
      %parallel_loop3A_172 = tpu.vector_load_idx %arg6[%parallel_loop3A_171, %parallel_loop3A_147] : memref<64x512xf32, #tpu.memory_space<vmem>>[vector<16xi32>, vector<16xi32>], vector<16xf32>,
      %parallel_loop3A_173 = arith.index_cast %parallel_loop3A_144 : i32 to index
      %parallel_loop3A_174 = arith.constant 48 : index
      %parallel_loop3A_175 = tpu.vector_load %arg8[%parallel_loop3A_173, %parallel_loop3A_174] {strides = array<i32>} : memref<64x128xf32, #tpu.memory_space<vmem>>, vector<16xf32>,
      tpu.vector_store %arg8[%parallel_loop3A_173, %parallel_loop3A_174], %parallel_loop3A_172 {strides = array<i32>} : memref<64x128xf32, #tpu.memory_space<vmem>>, vector<16xf32>,
    } {sc.loop_unroll_factor = 2 : i64, sc.parallel_access}
    %add3A_57 = arith.constant 320 : i32
    %add3A_58 = arith.addi %mul3A_2, %add3A_57 : i32
    %dma_start3A_59 = arith.constant 0 : i32
    %dma_start3A_60 = tpu.memref_slice %arg2[%add3A_58, %dma_start3A_59] : memref<16384x512xf32, #tpu.memory_space<hbm>> -> memref<64x512xf32, #tpu.memory_space<hbm>>
    %dma_start3A_61 = arith.constant 0 : i32
    %dma_start3A_62 = tpu.memref_slice %arg2[%add3A_58, %dma_start3A_61] : memref<16384x512xf32, #tpu.memory_space<hbm>> -> memref<64x512xf32, #tpu.memory_space<hbm>>
    tpu.enqueue_dma source(%dma_start3A_62 : memref<64x512xf32, #tpu.memory_space<hbm>>) target(%arg6 : memref<64x512xf32, #tpu.memory_space<vmem>>) target_semaphore(%arg11 : memref<!tpu.dma_semaphore, #tpu.memory_space<semaphore_mem>>)
    %dma_wait3A_63 = arith.constant 0 : i32
    %dma_wait3A_64 = tpu.memref_slice %arg2[%add3A_26, %dma_wait3A_63] : memref<16384x512xf32, #tpu.memory_space<hbm>> -> memref<64x512xf32, #tpu.memory_space<hbm>>
    %dma_wait3A_65 = arith.constant 0 : i32
    %dma_wait3A_66 = tpu.memref_slice %arg2[%add3A_26, %dma_wait3A_65] : memref<16384x512xf32, #tpu.memory_space<hbm>> -> memref<64x512xf32, #tpu.memory_space<hbm>>
    tpu.wait_dma2 semaphore(%arg9 : memref<!tpu.dma_semaphore, #tpu.memory_space<semaphore_mem>>) src(%dma_wait3A_66 : memref<64x512xf32, #tpu.memory_space<hbm>>) dst(%arg4 : memref<64x512xf32, #tpu.memory_space<vmem>>)
    %parallel_loop3A_67 = arith.constant 0 : i32
    %parallel_loop3A_68 = arith.constant 64 : i32
    %parallel_loop3A_69 = arith.constant 1 : i32
    scf.for %parallel_loop3A_144 = %parallel_loop3A_67 to %parallel_loop3A_68 step %parallel_loop3A_69  : i32 {
      %parallel_loop3A_145 = arith.constant 8 : i32
      %parallel_loop3A_146 = arith.muli %parallel_loop3A_144, %parallel_loop3A_145 : i32
      %parallel_loop3A_147 = vector.broadcast %parallel_loop3A_146 : i32 to vector<16xi32>
      %parallel_loop3A_148 = arith.constant 0 : i32
      %parallel_loop3A_149 = vector.broadcast %parallel_loop3A_148 : i32 to vector<16xi32>
      %parallel_loop3A_150 = arith.addi %iota3A, %parallel_loop3A_149 : vector<16xi32>
      %parallel_loop3A_151 = tpu.vector_load_idx %arg4[%parallel_loop3A_150, %parallel_loop3A_147] : memref<64x512xf32, #tpu.memory_space<vmem>>[vector<16xi32>, vector<16xi32>], vector<16xf32>,
      %parallel_loop3A_152 = arith.index_cast %parallel_loop3A_144 : i32 to index
      %parallel_loop3A_153 = arith.constant 64 : index
      %parallel_loop3A_154 = tpu.vector_load %arg8[%parallel_loop3A_152, %parallel_loop3A_153] {strides = array<i32>} : memref<64x128xf32, #tpu.memory_space<vmem>>, vector<16xf32>,
      tpu.vector_store %arg8[%parallel_loop3A_152, %parallel_loop3A_153], %parallel_loop3A_151 {strides = array<i32>} : memref<64x128xf32, #tpu.memory_space<vmem>>, vector<16xf32>,
      %parallel_loop3A_155 = arith.constant 16 : i32
      %parallel_loop3A_156 = vector.broadcast %parallel_loop3A_155 : i32 to vector<16xi32>
      %parallel_loop3A_157 = arith.addi %iota3A, %parallel_loop3A_156 : vector<16xi32>
      %parallel_loop3A_158 = tpu.vector_load_idx %arg4[%parallel_loop3A_157, %parallel_loop3A_147] : memref<64x512xf32, #tpu.memory_space<vmem>>[vector<16xi32>, vector<16xi32>], vector<16xf32>,
      %parallel_loop3A_159 = arith.index_cast %parallel_loop3A_144 : i32 to index
      %parallel_loop3A_160 = arith.constant 80 : index
      %parallel_loop3A_161 = tpu.vector_load %arg8[%parallel_loop3A_159, %parallel_loop3A_160] {strides = array<i32>} : memref<64x128xf32, #tpu.memory_space<vmem>>, vector<16xf32>,
      tpu.vector_store %arg8[%parallel_loop3A_159, %parallel_loop3A_160], %parallel_loop3A_158 {strides = array<i32>} : memref<64x128xf32, #tpu.memory_space<vmem>>, vector<16xf32>,
      %parallel_loop3A_162 = arith.constant 32 : i32
      %parallel_loop3A_163 = vector.broadcast %parallel_loop3A_162 : i32 to vector<16xi32>
      %parallel_loop3A_164 = arith.addi %iota3A, %parallel_loop3A_163 : vector<16xi32>
      %parallel_loop3A_165 = tpu.vector_load_idx %arg4[%parallel_loop3A_164, %parallel_loop3A_147] : memref<64x512xf32, #tpu.memory_space<vmem>>[vector<16xi32>, vector<16xi32>], vector<16xf32>,
      %parallel_loop3A_166 = arith.index_cast %parallel_loop3A_144 : i32 to index
      %parallel_loop3A_167 = arith.constant 96 : index
      %parallel_loop3A_168 = tpu.vector_load %arg8[%parallel_loop3A_166, %parallel_loop3A_167] {strides = array<i32>} : memref<64x128xf32, #tpu.memory_space<vmem>>, vector<16xf32>,
      tpu.vector_store %arg8[%parallel_loop3A_166, %parallel_loop3A_167], %parallel_loop3A_165 {strides = array<i32>} : memref<64x128xf32, #tpu.memory_space<vmem>>, vector<16xf32>,
      %parallel_loop3A_169 = arith.constant 48 : i32
      %parallel_loop3A_170 = vector.broadcast %parallel_loop3A_169 : i32 to vector<16xi32>
      %parallel_loop3A_171 = arith.addi %iota3A, %parallel_loop3A_170 : vector<16xi32>
      %parallel_loop3A_172 = tpu.vector_load_idx %arg4[%parallel_loop3A_171, %parallel_loop3A_147] : memref<64x512xf32, #tpu.memory_space<vmem>>[vector<16xi32>, vector<16xi32>], vector<16xf32>,
      %parallel_loop3A_173 = arith.index_cast %parallel_loop3A_144 : i32 to index
      %parallel_loop3A_174 = arith.constant 112 : index
      %parallel_loop3A_175 = tpu.vector_load %arg8[%parallel_loop3A_173, %parallel_loop3A_174] {strides = array<i32>} : memref<64x128xf32, #tpu.memory_space<vmem>>, vector<16xf32>,
      tpu.vector_store %arg8[%parallel_loop3A_173, %parallel_loop3A_174], %parallel_loop3A_172 {strides = array<i32>} : memref<64x128xf32, #tpu.memory_space<vmem>>, vector<16xf32>,
    } {sc.loop_unroll_factor = 2 : i64, sc.parallel_access}
    %add3A_70 = arith.constant 128 : i32
    %add3A_71 = arith.addi %mul3A_2, %add3A_70 : i32
    %dma_start3A_72 = arith.constant 0 : i32
    %dma_start3A_73 = tpu.memref_slice %arg3[%dma_start3A_72, %add3A_71] : memref<64x16384xf32, #tpu.memory_space<hbm>> -> memref<64x128xf32, #tpu.memory_space<hbm>>
    %dma_start3A_74 = arith.constant 0 : i32
    %dma_start3A_75 = tpu.memref_slice %arg3[%dma_start3A_74, %add3A_71] : memref<64x16384xf32, #tpu.memory_space<hbm>> -> memref<64x128xf32, #tpu.memory_space<hbm>>
    tpu.enqueue_dma source(%arg8 : memref<64x128xf32, #tpu.memory_space<vmem>>) target(%dma_start3A_75 : memref<64x128xf32, #tpu.memory_space<hbm>>) target_semaphore(%arg13 : memref<!tpu.dma_semaphore, #tpu.memory_space<semaphore_mem>>)
    %add3A_76 = arith.constant 384 : i32
    %add3A_77 = arith.addi %mul3A_2, %add3A_76 : i32
    %dma_start3A_78 = arith.constant 0 : i32
    %dma_start3A_79 = tpu.memref_slice %arg2[%add3A_77, %dma_start3A_78] : memref<16384x512xf32, #tpu.memory_space<hbm>> -> memref<64x512xf32, #tpu.memory_space<hbm>>
    %dma_start3A_80 = arith.constant 0 : i32
    %dma_start3A_81 = tpu.memref_slice %arg2[%add3A_77, %dma_start3A_80] : memref<16384x512xf32, #tpu.memory_space<hbm>> -> memref<64x512xf32, #tpu.memory_space<hbm>>
    tpu.enqueue_dma source(%dma_start3A_81 : memref<64x512xf32, #tpu.memory_space<hbm>>) target(%arg4 : memref<64x512xf32, #tpu.memory_space<vmem>>) target_semaphore(%arg9 : memref<!tpu.dma_semaphore, #tpu.memory_space<semaphore_mem>>)
    %dma_wait3A_82 = arith.constant 0 : i32
    %dma_wait3A_83 = tpu.memref_slice %arg2[%add3A_45, %dma_wait3A_82] : memref<16384x512xf32, #tpu.memory_space<hbm>> -> memref<64x512xf32, #tpu.memory_space<hbm>>
    %dma_wait3A_84 = arith.constant 0 : i32
    %dma_wait3A_85 = tpu.memref_slice %arg2[%add3A_45, %dma_wait3A_84] : memref<16384x512xf32, #tpu.memory_space<hbm>> -> memref<64x512xf32, #tpu.memory_space<hbm>>
    tpu.wait_dma2 semaphore(%arg10 : memref<!tpu.dma_semaphore, #tpu.memory_space<semaphore_mem>>) src(%dma_wait3A_85 : memref<64x512xf32, #tpu.memory_space<hbm>>) dst(%arg5 : memref<64x512xf32, #tpu.memory_space<vmem>>)
    %dma_wait3A_86 = arith.constant 0 : i32
    %dma_wait3A_87 = tpu.memref_slice %arg3[%dma_wait3A_86, %add3A_39] : memref<64x16384xf32, #tpu.memory_space<hbm>> -> memref<64x128xf32, #tpu.memory_space<hbm>>
    %dma_wait3A_88 = arith.constant 0 : i32
    %dma_wait3A_89 = tpu.memref_slice %arg3[%dma_wait3A_88, %add3A_39] : memref<64x16384xf32, #tpu.memory_space<hbm>> -> memref<64x128xf32, #tpu.memory_space<hbm>>
    tpu.wait_dma2 semaphore(%arg12 : memref<!tpu.dma_semaphore, #tpu.memory_space<semaphore_mem>>) src(%arg7 : memref<64x128xf32, #tpu.memory_space<vmem>>) dst(%dma_wait3A_89 : memref<64x128xf32, #tpu.memory_space<hbm>>)
    %parallel_loop3A_90 = arith.constant 0 : i32
    %parallel_loop3A_91 = arith.constant 64 : i32
    %parallel_loop3A_92 = arith.constant 1 : i32
    scf.for %parallel_loop3A_144 = %parallel_loop3A_90 to %parallel_loop3A_91 step %parallel_loop3A_92  : i32 {
      %parallel_loop3A_145 = arith.constant 8 : i32
      %parallel_loop3A_146 = arith.muli %parallel_loop3A_144, %parallel_loop3A_145 : i32
      %parallel_loop3A_147 = vector.broadcast %parallel_loop3A_146 : i32 to vector<16xi32>
      %parallel_loop3A_148 = arith.constant 0 : i32
      %parallel_loop3A_149 = vector.broadcast %parallel_loop3A_148 : i32 to vector<16xi32>
      %parallel_loop3A_150 = arith.addi %iota3A, %parallel_loop3A_149 : vector<16xi32>
      %parallel_loop3A_151 = tpu.vector_load_idx %arg5[%parallel_loop3A_150, %parallel_loop3A_147] : memref<64x512xf32, #tpu.memory_space<vmem>>[vector<16xi32>, vector<16xi32>], vector<16xf32>,
      %parallel_loop3A_152 = arith.index_cast %parallel_loop3A_144 : i32 to index
      %parallel_loop3A_153 = arith.constant 0 : index
      %parallel_loop3A_154 = tpu.vector_load %arg7[%parallel_loop3A_152, %parallel_loop3A_153] {strides = array<i32>} : memref<64x128xf32, #tpu.memory_space<vmem>>, vector<16xf32>,
      tpu.vector_store %arg7[%parallel_loop3A_152, %parallel_loop3A_153], %parallel_loop3A_151 {strides = array<i32>} : memref<64x128xf32, #tpu.memory_space<vmem>>, vector<16xf32>,
      %parallel_loop3A_155 = arith.constant 16 : i32
      %parallel_loop3A_156 = vector.broadcast %parallel_loop3A_155 : i32 to vector<16xi32>
      %parallel_loop3A_157 = arith.addi %iota3A, %parallel_loop3A_156 : vector<16xi32>
      %parallel_loop3A_158 = tpu.vector_load_idx %arg5[%parallel_loop3A_157, %parallel_loop3A_147] : memref<64x512xf32, #tpu.memory_space<vmem>>[vector<16xi32>, vector<16xi32>], vector<16xf32>,
      %parallel_loop3A_159 = arith.index_cast %parallel_loop3A_144 : i32 to index
      %parallel_loop3A_160 = arith.constant 16 : index
      %parallel_loop3A_161 = tpu.vector_load %arg7[%parallel_loop3A_159, %parallel_loop3A_160] {strides = array<i32>} : memref<64x128xf32, #tpu.memory_space<vmem>>, vector<16xf32>,
      tpu.vector_store %arg7[%parallel_loop3A_159, %parallel_loop3A_160], %parallel_loop3A_158 {strides = array<i32>} : memref<64x128xf32, #tpu.memory_space<vmem>>, vector<16xf32>,
      %parallel_loop3A_162 = arith.constant 32 : i32
      %parallel_loop3A_163 = vector.broadcast %parallel_loop3A_162 : i32 to vector<16xi32>
      %parallel_loop3A_164 = arith.addi %iota3A, %parallel_loop3A_163 : vector<16xi32>
      %parallel_loop3A_165 = tpu.vector_load_idx %arg5[%parallel_loop3A_164, %parallel_loop3A_147] : memref<64x512xf32, #tpu.memory_space<vmem>>[vector<16xi32>, vector<16xi32>], vector<16xf32>,
      %parallel_loop3A_166 = arith.index_cast %parallel_loop3A_144 : i32 to index
      %parallel_loop3A_167 = arith.constant 32 : index
      %parallel_loop3A_168 = tpu.vector_load %arg7[%parallel_loop3A_166, %parallel_loop3A_167] {strides = array<i32>} : memref<64x128xf32, #tpu.memory_space<vmem>>, vector<16xf32>,
      tpu.vector_store %arg7[%parallel_loop3A_166, %parallel_loop3A_167], %parallel_loop3A_165 {strides = array<i32>} : memref<64x128xf32, #tpu.memory_space<vmem>>, vector<16xf32>,
      %parallel_loop3A_169 = arith.constant 48 : i32
      %parallel_loop3A_170 = vector.broadcast %parallel_loop3A_169 : i32 to vector<16xi32>
      %parallel_loop3A_171 = arith.addi %iota3A, %parallel_loop3A_170 : vector<16xi32>
      %parallel_loop3A_172 = tpu.vector_load_idx %arg5[%parallel_loop3A_171, %parallel_loop3A_147] : memref<64x512xf32, #tpu.memory_space<vmem>>[vector<16xi32>, vector<16xi32>], vector<16xf32>,
      %parallel_loop3A_173 = arith.index_cast %parallel_loop3A_144 : i32 to index
      %parallel_loop3A_174 = arith.constant 48 : index
      %parallel_loop3A_175 = tpu.vector_load %arg7[%parallel_loop3A_173, %parallel_loop3A_174] {strides = array<i32>} : memref<64x128xf32, #tpu.memory_space<vmem>>, vector<16xf32>,
      tpu.vector_store %arg7[%parallel_loop3A_173, %parallel_loop3A_174], %parallel_loop3A_172 {strides = array<i32>} : memref<64x128xf32, #tpu.memory_space<vmem>>, vector<16xf32>,
    } {sc.loop_unroll_factor = 2 : i64, sc.parallel_access}
    %add3A_93 = arith.constant 448 : i32
    %add3A_94 = arith.addi %mul3A_2, %add3A_93 : i32
    %dma_start3A_95 = arith.constant 0 : i32
    %dma_start3A_96 = tpu.memref_slice %arg2[%add3A_94, %dma_start3A_95] : memref<16384x512xf32, #tpu.memory_space<hbm>> -> memref<64x512xf32, #tpu.memory_space<hbm>>
    %dma_start3A_97 = arith.constant 0 : i32
    %dma_start3A_98 = tpu.memref_slice %arg2[%add3A_94, %dma_start3A_97] : memref<16384x512xf32, #tpu.memory_space<hbm>> -> memref<64x512xf32, #tpu.memory_space<hbm>>
    tpu.enqueue_dma source(%dma_start3A_98 : memref<64x512xf32, #tpu.memory_space<hbm>>) target(%arg5 : memref<64x512xf32, #tpu.memory_space<vmem>>) target_semaphore(%arg10 : memref<!tpu.dma_semaphore, #tpu.memory_space<semaphore_mem>>)
    %dma_wait3A_99 = arith.constant 0 : i32
    %dma_wait3A_100 = tpu.memref_slice %arg2[%add3A_58, %dma_wait3A_99] : memref<16384x512xf32, #tpu.memory_space<hbm>> -> memref<64x512xf32, #tpu.memory_space<hbm>>
    %dma_wait3A_101 = arith.constant 0 : i32
    %dma_wait3A_102 = tpu.memref_slice %arg2[%add3A_58, %dma_wait3A_101] : memref<16384x512xf32, #tpu.memory_space<hbm>> -> memref<64x512xf32, #tpu.memory_space<hbm>>
    tpu.wait_dma2 semaphore(%arg11 : memref<!tpu.dma_semaphore, #tpu.memory_space<semaphore_mem>>) src(%dma_wait3A_102 : memref<64x512xf32, #tpu.memory_space<hbm>>) dst(%arg6 : memref<64x512xf32, #tpu.memory_space<vmem>>)
    %parallel_loop3A_103 = arith.constant 0 : i32
    %parallel_loop3A_104 = arith.constant 64 : i32
    %parallel_loop3A_105 = arith.constant 1 : i32
    scf.for %parallel_loop3A_144 = %parallel_loop3A_103 to %parallel_loop3A_104 step %parallel_loop3A_105  : i32 {
      %parallel_loop3A_145 = arith.constant 8 : i32
      %parallel_loop3A_146 = arith.muli %parallel_loop3A_144, %parallel_loop3A_145 : i32
      %parallel_loop3A_147 = vector.broadcast %parallel_loop3A_146 : i32 to vector<16xi32>
      %parallel_loop3A_148 = arith.constant 0 : i32
      %parallel_loop3A_149 = vector.broadcast %parallel_loop3A_148 : i32 to vector<16xi32>
      %parallel_loop3A_150 = arith.addi %iota3A, %parallel_loop3A_149 : vector<16xi32>
      %parallel_loop3A_151 = tpu.vector_load_idx %arg6[%parallel_loop3A_150, %parallel_loop3A_147] : memref<64x512xf32, #tpu.memory_space<vmem>>[vector<16xi32>, vector<16xi32>], vector<16xf32>,
      %parallel_loop3A_152 = arith.index_cast %parallel_loop3A_144 : i32 to index
      %parallel_loop3A_153 = arith.constant 64 : index
      %parallel_loop3A_154 = tpu.vector_load %arg7[%parallel_loop3A_152, %parallel_loop3A_153] {strides = array<i32>} : memref<64x128xf32, #tpu.memory_space<vmem>>, vector<16xf32>,
      tpu.vector_store %arg7[%parallel_loop3A_152, %parallel_loop3A_153], %parallel_loop3A_151 {strides = array<i32>} : memref<64x128xf32, #tpu.memory_space<vmem>>, vector<16xf32>,
      %parallel_loop3A_155 = arith.constant 16 : i32
      %parallel_loop3A_156 = vector.broadcast %parallel_loop3A_155 : i32 to vector<16xi32>
      %parallel_loop3A_157 = arith.addi %iota3A, %parallel_loop3A_156 : vector<16xi32>
      %parallel_loop3A_158 = tpu.vector_load_idx %arg6[%parallel_loop3A_157, %parallel_loop3A_147] : memref<64x512xf32, #tpu.memory_space<vmem>>[vector<16xi32>, vector<16xi32>], vector<16xf32>,
      %parallel_loop3A_159 = arith.index_cast %parallel_loop3A_144 : i32 to index
      %parallel_loop3A_160 = arith.constant 80 : index
      %parallel_loop3A_161 = tpu.vector_load %arg7[%parallel_loop3A_159, %parallel_loop3A_160] {strides = array<i32>} : memref<64x128xf32, #tpu.memory_space<vmem>>, vector<16xf32>,
      tpu.vector_store %arg7[%parallel_loop3A_159, %parallel_loop3A_160], %parallel_loop3A_158 {strides = array<i32>} : memref<64x128xf32, #tpu.memory_space<vmem>>, vector<16xf32>,
      %parallel_loop3A_162 = arith.constant 32 : i32
      %parallel_loop3A_163 = vector.broadcast %parallel_loop3A_162 : i32 to vector<16xi32>
      %parallel_loop3A_164 = arith.addi %iota3A, %parallel_loop3A_163 : vector<16xi32>
      %parallel_loop3A_165 = tpu.vector_load_idx %arg6[%parallel_loop3A_164, %parallel_loop3A_147] : memref<64x512xf32, #tpu.memory_space<vmem>>[vector<16xi32>, vector<16xi32>], vector<16xf32>,
      %parallel_loop3A_166 = arith.index_cast %parallel_loop3A_144 : i32 to index
      %parallel_loop3A_167 = arith.constant 96 : index
      %parallel_loop3A_168 = tpu.vector_load %arg7[%parallel_loop3A_166, %parallel_loop3A_167] {strides = array<i32>} : memref<64x128xf32, #tpu.memory_space<vmem>>, vector<16xf32>,
      tpu.vector_store %arg7[%parallel_loop3A_166, %parallel_loop3A_167], %parallel_loop3A_165 {strides = array<i32>} : memref<64x128xf32, #tpu.memory_space<vmem>>, vector<16xf32>,
      %parallel_loop3A_169 = arith.constant 48 : i32
      %parallel_loop3A_170 = vector.broadcast %parallel_loop3A_169 : i32 to vector<16xi32>
      %parallel_loop3A_171 = arith.addi %iota3A, %parallel_loop3A_170 : vector<16xi32>
      %parallel_loop3A_172 = tpu.vector_load_idx %arg6[%parallel_loop3A_171, %parallel_loop3A_147] : memref<64x512xf32, #tpu.memory_space<vmem>>[vector<16xi32>, vector<16xi32>], vector<16xf32>,
      %parallel_loop3A_173 = arith.index_cast %parallel_loop3A_144 : i32 to index
      %parallel_loop3A_174 = arith.constant 112 : index
      %parallel_loop3A_175 = tpu.vector_load %arg7[%parallel_loop3A_173, %parallel_loop3A_174] {strides = array<i32>} : memref<64x128xf32, #tpu.memory_space<vmem>>, vector<16xf32>,
      tpu.vector_store %arg7[%parallel_loop3A_173, %parallel_loop3A_174], %parallel_loop3A_172 {strides = array<i32>} : memref<64x128xf32, #tpu.memory_space<vmem>>, vector<16xf32>,
    } {sc.loop_unroll_factor = 2 : i64, sc.parallel_access}
    %add3A_106 = arith.constant 256 : i32
    %add3A_107 = arith.addi %mul3A_2, %add3A_106 : i32
    %dma_start3A_108 = arith.constant 0 : i32
    %dma_start3A_109 = tpu.memref_slice %arg3[%dma_start3A_108, %add3A_107] : memref<64x16384xf32, #tpu.memory_space<hbm>> -> memref<64x128xf32, #tpu.memory_space<hbm>>
    %dma_start3A_110 = arith.constant 0 : i32
    %dma_start3A_111 = tpu.memref_slice %arg3[%dma_start3A_110, %add3A_107] : memref<64x16384xf32, #tpu.memory_space<hbm>> -> memref<64x128xf32, #tpu.memory_space<hbm>>
    tpu.enqueue_dma source(%arg7 : memref<64x128xf32, #tpu.memory_space<vmem>>) target(%dma_start3A_111 : memref<64x128xf32, #tpu.memory_space<hbm>>) target_semaphore(%arg12 : memref<!tpu.dma_semaphore, #tpu.memory_space<semaphore_mem>>)
    %dma_wait3A_112 = arith.constant 0 : i32
    %dma_wait3A_113 = tpu.memref_slice %arg2[%add3A_77, %dma_wait3A_112] : memref<16384x512xf32, #tpu.memory_space<hbm>> -> memref<64x512xf32, #tpu.memory_space<hbm>>
    %dma_wait3A_114 = arith.constant 0 : i32
    %dma_wait3A_115 = tpu.memref_slice %arg2[%add3A_77, %dma_wait3A_114] : memref<16384x512xf32, #tpu.memory_space<hbm>> -> memref<64x512xf32, #tpu.memory_space<hbm>>
    tpu.wait_dma2 semaphore(%arg9 : memref<!tpu.dma_semaphore, #tpu.memory_space<semaphore_mem>>) src(%dma_wait3A_115 : memref<64x512xf32, #tpu.memory_space<hbm>>) dst(%arg4 : memref<64x512xf32, #tpu.memory_space<vmem>>)
    %dma_wait3A_116 = arith.constant 0 : i32
    %dma_wait3A_117 = tpu.memref_slice %arg3[%dma_wait3A_116, %add3A_71] : memref<64x16384xf32, #tpu.memory_space<hbm>> -> memref<64x128xf32, #tpu.memory_space<hbm>>
    %dma_wait3A_118 = arith.constant 0 : i32
    %dma_wait3A_119 = tpu.memref_slice %arg3[%dma_wait3A_118, %add3A_71] : memref<64x16384xf32, #tpu.memory_space<hbm>> -> memref<64x128xf32, #tpu.memory_space<hbm>>
    tpu.wait_dma2 semaphore(%arg13 : memref<!tpu.dma_semaphore, #tpu.memory_space<semaphore_mem>>) src(%arg8 : memref<64x128xf32, #tpu.memory_space<vmem>>) dst(%dma_wait3A_119 : memref<64x128xf32, #tpu.memory_space<hbm>>)
    %parallel_loop3A_120 = arith.constant 0 : i32
    %parallel_loop3A_121 = arith.constant 64 : i32
    %parallel_loop3A_122 = arith.constant 1 : i32
    scf.for %parallel_loop3A_144 = %parallel_loop3A_120 to %parallel_loop3A_121 step %parallel_loop3A_122  : i32 {
      %parallel_loop3A_145 = arith.constant 8 : i32
      %parallel_loop3A_146 = arith.muli %parallel_loop3A_144, %parallel_loop3A_145 : i32
      %parallel_loop3A_147 = vector.broadcast %parallel_loop3A_146 : i32 to vector<16xi32>
      %parallel_loop3A_148 = arith.constant 0 : i32
      %parallel_loop3A_149 = vector.broadcast %parallel_loop3A_148 : i32 to vector<16xi32>
      %parallel_loop3A_150 = arith.addi %iota3A, %parallel_loop3A_149 : vector<16xi32>
      %parallel_loop3A_151 = tpu.vector_load_idx %arg4[%parallel_loop3A_150, %parallel_loop3A_147] : memref<64x512xf32, #tpu.memory_space<vmem>>[vector<16xi32>, vector<16xi32>], vector<16xf32>,
      %parallel_loop3A_152 = arith.index_cast %parallel_loop3A_144 : i32 to index
      %parallel_loop3A_153 = arith.constant 0 : index
      %parallel_loop3A_154 = tpu.vector_load %arg8[%parallel_loop3A_152, %parallel_loop3A_153] {strides = array<i32>} : memref<64x128xf32, #tpu.memory_space<vmem>>, vector<16xf32>,
      tpu.vector_store %arg8[%parallel_loop3A_152, %parallel_loop3A_153], %parallel_loop3A_151 {strides = array<i32>} : memref<64x128xf32, #tpu.memory_space<vmem>>, vector<16xf32>,
      %parallel_loop3A_155 = arith.constant 16 : i32
      %parallel_loop3A_156 = vector.broadcast %parallel_loop3A_155 : i32 to vector<16xi32>
      %parallel_loop3A_157 = arith.addi %iota3A, %parallel_loop3A_156 : vector<16xi32>
      %parallel_loop3A_158 = tpu.vector_load_idx %arg4[%parallel_loop3A_157, %parallel_loop3A_147] : memref<64x512xf32, #tpu.memory_space<vmem>>[vector<16xi32>, vector<16xi32>], vector<16xf32>,
      %parallel_loop3A_159 = arith.index_cast %parallel_loop3A_144 : i32 to index
      %parallel_loop3A_160 = arith.constant 16 : index
      %parallel_loop3A_161 = tpu.vector_load %arg8[%parallel_loop3A_159, %parallel_loop3A_160] {strides = array<i32>} : memref<64x128xf32, #tpu.memory_space<vmem>>, vector<16xf32>,
      tpu.vector_store %arg8[%parallel_loop3A_159, %parallel_loop3A_160], %parallel_loop3A_158 {strides = array<i32>} : memref<64x128xf32, #tpu.memory_space<vmem>>, vector<16xf32>,
      %parallel_loop3A_162 = arith.constant 32 : i32
      %parallel_loop3A_163 = vector.broadcast %parallel_loop3A_162 : i32 to vector<16xi32>
      %parallel_loop3A_164 = arith.addi %iota3A, %parallel_loop3A_163 : vector<16xi32>
      %parallel_loop3A_165 = tpu.vector_load_idx %arg4[%parallel_loop3A_164, %parallel_loop3A_147] : memref<64x512xf32, #tpu.memory_space<vmem>>[vector<16xi32>, vector<16xi32>], vector<16xf32>,
      %parallel_loop3A_166 = arith.index_cast %parallel_loop3A_144 : i32 to index
      %parallel_loop3A_167 = arith.constant 32 : index
      %parallel_loop3A_168 = tpu.vector_load %arg8[%parallel_loop3A_166, %parallel_loop3A_167] {strides = array<i32>} : memref<64x128xf32, #tpu.memory_space<vmem>>, vector<16xf32>,
      tpu.vector_store %arg8[%parallel_loop3A_166, %parallel_loop3A_167], %parallel_loop3A_165 {strides = array<i32>} : memref<64x128xf32, #tpu.memory_space<vmem>>, vector<16xf32>,
      %parallel_loop3A_169 = arith.constant 48 : i32
      %parallel_loop3A_170 = vector.broadcast %parallel_loop3A_169 : i32 to vector<16xi32>
      %parallel_loop3A_171 = arith.addi %iota3A, %parallel_loop3A_170 : vector<16xi32>
      %parallel_loop3A_172 = tpu.vector_load_idx %arg4[%parallel_loop3A_171, %parallel_loop3A_147] : memref<64x512xf32, #tpu.memory_space<vmem>>[vector<16xi32>, vector<16xi32>], vector<16xf32>,
      %parallel_loop3A_173 = arith.index_cast %parallel_loop3A_144 : i32 to index
      %parallel_loop3A_174 = arith.constant 48 : index
      %parallel_loop3A_175 = tpu.vector_load %arg8[%parallel_loop3A_173, %parallel_loop3A_174] {strides = array<i32>} : memref<64x128xf32, #tpu.memory_space<vmem>>, vector<16xf32>,
      tpu.vector_store %arg8[%parallel_loop3A_173, %parallel_loop3A_174], %parallel_loop3A_172 {strides = array<i32>} : memref<64x128xf32, #tpu.memory_space<vmem>>, vector<16xf32>,
    } {sc.loop_unroll_factor = 2 : i64, sc.parallel_access}
    %dma_wait3A_123 = arith.constant 0 : i32
    %dma_wait3A_124 = tpu.memref_slice %arg2[%add3A_94, %dma_wait3A_123] : memref<16384x512xf32, #tpu.memory_space<hbm>> -> memref<64x512xf32, #tpu.memory_space<hbm>>
    %dma_wait3A_125 = arith.constant 0 : i32
    %dma_wait3A_126 = tpu.memref_slice %arg2[%add3A_94, %dma_wait3A_125] : memref<16384x512xf32, #tpu.memory_space<hbm>> -> memref<64x512xf32, #tpu.memory_space<hbm>>
    tpu.wait_dma2 semaphore(%arg10 : memref<!tpu.dma_semaphore, #tpu.memory_space<semaphore_mem>>) src(%dma_wait3A_126 : memref<64x512xf32, #tpu.memory_space<hbm>>) dst(%arg5 : memref<64x512xf32, #tpu.memory_space<vmem>>)
    %parallel_loop3A_127 = arith.constant 0 : i32
    %parallel_loop3A_128 = arith.constant 64 : i32
    %parallel_loop3A_129 = arith.constant 1 : i32
    scf.for %parallel_loop3A_144 = %parallel_loop3A_127 to %parallel_loop3A_128 step %parallel_loop3A_129  : i32 {
      %parallel_loop3A_145 = arith.constant 8 : i32
      %parallel_loop3A_146 = arith.muli %parallel_loop3A_144, %parallel_loop3A_145 : i32
      %parallel_loop3A_147 = vector.broadcast %parallel_loop3A_146 : i32 to vector<16xi32>
      %parallel_loop3A_148 = arith.constant 0 : i32
      %parallel_loop3A_149 = vector.broadcast %parallel_loop3A_148 : i32 to vector<16xi32>
      %parallel_loop3A_150 = arith.addi %iota3A, %parallel_loop3A_149 : vector<16xi32>
      %parallel_loop3A_151 = tpu.vector_load_idx %arg5[%parallel_loop3A_150, %parallel_loop3A_147] : memref<64x512xf32, #tpu.memory_space<vmem>>[vector<16xi32>, vector<16xi32>], vector<16xf32>,
      %parallel_loop3A_152 = arith.index_cast %parallel_loop3A_144 : i32 to index
      %parallel_loop3A_153 = arith.constant 64 : index
      %parallel_loop3A_154 = tpu.vector_load %arg8[%parallel_loop3A_152, %parallel_loop3A_153] {strides = array<i32>} : memref<64x128xf32, #tpu.memory_space<vmem>>, vector<16xf32>,
      tpu.vector_store %arg8[%parallel_loop3A_152, %parallel_loop3A_153], %parallel_loop3A_151 {strides = array<i32>} : memref<64x128xf32, #tpu.memory_space<vmem>>, vector<16xf32>,
      %parallel_loop3A_155 = arith.constant 16 : i32
      %parallel_loop3A_156 = vector.broadcast %parallel_loop3A_155 : i32 to vector<16xi32>
      %parallel_loop3A_157 = arith.addi %iota3A, %parallel_loop3A_156 : vector<16xi32>
      %parallel_loop3A_158 = tpu.vector_load_idx %arg5[%parallel_loop3A_157, %parallel_loop3A_147] : memref<64x512xf32, #tpu.memory_space<vmem>>[vector<16xi32>, vector<16xi32>], vector<16xf32>,
      %parallel_loop3A_159 = arith.index_cast %parallel_loop3A_144 : i32 to index
      %parallel_loop3A_160 = arith.constant 80 : index
      %parallel_loop3A_161 = tpu.vector_load %arg8[%parallel_loop3A_159, %parallel_loop3A_160] {strides = array<i32>} : memref<64x128xf32, #tpu.memory_space<vmem>>, vector<16xf32>,
      tpu.vector_store %arg8[%parallel_loop3A_159, %parallel_loop3A_160], %parallel_loop3A_158 {strides = array<i32>} : memref<64x128xf32, #tpu.memory_space<vmem>>, vector<16xf32>,
      %parallel_loop3A_162 = arith.constant 32 : i32
      %parallel_loop3A_163 = vector.broadcast %parallel_loop3A_162 : i32 to vector<16xi32>
      %parallel_loop3A_164 = arith.addi %iota3A, %parallel_loop3A_163 : vector<16xi32>
      %parallel_loop3A_165 = tpu.vector_load_idx %arg5[%parallel_loop3A_164, %parallel_loop3A_147] : memref<64x512xf32, #tpu.memory_space<vmem>>[vector<16xi32>, vector<16xi32>], vector<16xf32>,
      %parallel_loop3A_166 = arith.index_cast %parallel_loop3A_144 : i32 to index
      %parallel_loop3A_167 = arith.constant 96 : index
      %parallel_loop3A_168 = tpu.vector_load %arg8[%parallel_loop3A_166, %parallel_loop3A_167] {strides = array<i32>} : memref<64x128xf32, #tpu.memory_space<vmem>>, vector<16xf32>,
      tpu.vector_store %arg8[%parallel_loop3A_166, %parallel_loop3A_167], %parallel_loop3A_165 {strides = array<i32>} : memref<64x128xf32, #tpu.memory_space<vmem>>, vector<16xf32>,
      %parallel_loop3A_169 = arith.constant 48 : i32
      %parallel_loop3A_170 = vector.broadcast %parallel_loop3A_169 : i32 to vector<16xi32>
      %parallel_loop3A_171 = arith.addi %iota3A, %parallel_loop3A_170 : vector<16xi32>
      %parallel_loop3A_172 = tpu.vector_load_idx %arg5[%parallel_loop3A_171, %parallel_loop3A_147] : memref<64x512xf32, #tpu.memory_space<vmem>>[vector<16xi32>, vector<16xi32>], vector<16xf32>,
      %parallel_loop3A_173 = arith.index_cast %parallel_loop3A_144 : i32 to index
      %parallel_loop3A_174 = arith.constant 112 : index
      %parallel_loop3A_175 = tpu.vector_load %arg8[%parallel_loop3A_173, %parallel_loop3A_174] {strides = array<i32>} : memref<64x128xf32, #tpu.memory_space<vmem>>, vector<16xf32>,
      tpu.vector_store %arg8[%parallel_loop3A_173, %parallel_loop3A_174], %parallel_loop3A_172 {strides = array<i32>} : memref<64x128xf32, #tpu.memory_space<vmem>>, vector<16xf32>,
    } {sc.loop_unroll_factor = 2 : i64, sc.parallel_access}
    %add3A_130 = arith.constant 384 : i32
    %add3A_131 = arith.addi %mul3A_2, %add3A_130 : i32
    %dma_start3A_132 = arith.constant 0 : i32
    %dma_start3A_133 = tpu.memref_slice %arg3[%dma_start3A_132, %add3A_131] : memref<64x16384xf32, #tpu.memory_space<hbm>> -> memref<64x128xf32, #tpu.memory_space<hbm>>
    %dma_start3A_134 = arith.constant 0 : i32
    %dma_start3A_135 = tpu.memref_slice %arg3[%dma_start3A_134, %add3A_131] : memref<64x16384xf32, #tpu.memory_space<hbm>> -> memref<64x128xf32, #tpu.memory_space<hbm>>
    tpu.enqueue_dma source(%arg8 : memref<64x128xf32, #tpu.memory_space<vmem>>) target(%dma_start3A_135 : memref<64x128xf32, #tpu.memory_space<hbm>>) target_semaphore(%arg13 : memref<!tpu.dma_semaphore, #tpu.memory_space<semaphore_mem>>)
    %dma_wait3A_136 = arith.constant 0 : i32
    %dma_wait3A_137 = tpu.memref_slice %arg3[%dma_wait3A_136, %add3A_107] : memref<64x16384xf32, #tpu.memory_space<hbm>> -> memref<64x128xf32, #tpu.memory_space<hbm>>
    %dma_wait3A_138 = arith.constant 0 : i32
    %dma_wait3A_139 = tpu.memref_slice %arg3[%dma_wait3A_138, %add3A_107] : memref<64x16384xf32, #tpu.memory_space<hbm>> -> memref<64x128xf32, #tpu.memory_space<hbm>>
    tpu.wait_dma2 semaphore(%arg12 : memref<!tpu.dma_semaphore, #tpu.memory_space<semaphore_mem>>) src(%arg7 : memref<64x128xf32, #tpu.memory_space<vmem>>) dst(%dma_wait3A_139 : memref<64x128xf32, #tpu.memory_space<hbm>>)
    %dma_wait3A_140 = arith.constant 0 : i32
    %dma_wait3A_141 = tpu.memref_slice %arg3[%dma_wait3A_140, %add3A_131] : memref<64x16384xf32, #tpu.memory_space<hbm>> -> memref<64x128xf32, #tpu.memory_space<hbm>>
    %dma_wait3A_142 = arith.constant 0 : i32
    %dma_wait3A_143 = tpu.memref_slice %arg3[%dma_wait3A_142, %add3A_131] : memref<64x16384xf32, #tpu.memory_space<hbm>> -> memref<64x128xf32, #tpu.memory_space<hbm>>
    tpu.wait_dma2 semaphore(%arg13 : memref<!tpu.dma_semaphore, #tpu.memory_space<semaphore_mem>>) src(%arg8 : memref<64x128xf32, #tpu.memory_space<vmem>>) dst(%dma_wait3A_143 : memref<64x128xf32, #tpu.memory_space<hbm>>)
    return
  }
}

</mosaic_0001>

<sc_bundles>
// kernel: kernel.3.cloned.1.call-start
scs
__scs_entry_jumppad:
0x0: {  	(pc) =	sbr.rel $0x88, $3  }
0x1: {  	(tag) =	ssettag $0x0;
	lr =	simm.s32 $0x1  }
0x2: {  	[smem:$0x3FA0] =	sst lr;
	_ =	strace $0xD0000000  }
0x3: {  	_ = 	snop  }
0x4: {  	_ = 	snop  }
0x5: {  	_ = 	snop  }
0x6: {  	_ = 	snop  }
0x7: {  	_ = 	snop  }
__scs_overlays_trampoline_lowered:
0x8: {  	[smem:$0x3FAF] =	sst s0  }
0x9: {  	[smem:$0x3FB0] =	sst s1  }
0xa: {  	[smem:$0x3FB1] =	sst s2  }
0xb: {  	[smem:$0x3FB2] =	sst s3  }
0xc: {  	[smem:$0x3FB3] =	sst s4  }
0xd: {  	[smem:$0x3FB4] =	sst s5  }
0xe: {  	[smem:$0x3FB5] =	sst s6  }
0xf: {  	[smem:$0x3FB6] =	sst s7  }
0x10: {  	[smem:$0x3FB7] =	sst s8  }
0x11: {  	[smem:$0x3FB8] =	sst s9;
	s0 =	simm.s32 @!p0 $0x0  }
0x12: {  	s1 =	sld [smem:$0x3F9E];
	s0 =	simm.s32 @p0 $0x1  }
0x13: {  	[smem:$0x3FB9] =	sst s0;
	s0 =	simm.s32 @!p1 $0x0  }
0x14: {  	s2 =	sld [smem:$0x3F9D];
	s0 =	simm.s32 @p1 $0x1  }
0x15: {  	[smem:$0x3FBA] =	sst s0;
	s0 =	simm.s32 @!p2 $0x0  }
0x16: {  	s3 =	sld [smem:$0x3FDB];
	s0 =	simm.s32 @p2 $0x1  }
0x17: {  	s4 =	simm.s32 $0x1BF5;
	[smem:$0x3FBC] =	sst s0  }
0x18: {  	s0 =	sld [smem:$0x3F9F];
	_ =	swait.ge [sflag:s4], $0x0  }
0x19: {  	s7 =	sld [smem:$0x3FA0]  }
0x1a: {  	s8 =	sadd.s32 $0xFFFFE003, lr  }
0x1b: {  	s9 =	sadd.s32 $0xFFFFFEF7, lr;
	s5 =	simm.s32 $0xFFFFFFFF;
	p2 =	slt.u32 s8, $0xFFFFF086  }
0x1c: {  	p1 =	slt.u32 s9, $0xF7A;
	s5 =	simm.s32 @!p2 $0x0  }
0x1d: {  	s5 =	simm.s32 @p1 $0x1;
	p0 =	seq.s32 s7, s2  }
0x1e: {  	s7 =	smul.u32 @!p0 $0xF7A, s2;
	p2 =	seq.s32 @!p0 s5, $0x0  }
0x1f: {  	s9 =	smul.u32 $0xF7A, s1;
	s8 =	simm.s32 @!p0 $0x1BF5;
	p2 =	por !p2, p0  }
0x20: {  	[sflag:s8] =	ssyncset.s32 @!p0 $0xFFFFF086;
	s6 =	sadd.s32 @!p0 s3, s7;
	s7 =	simm.s32 @!p0 $0x108  }
0x21: {  	s3 =	sadd.s32 s3, s9;
	s6 =	sadd.s32 @!p0 $0x88, s6;
	s7 =	simm.s32 @p2 $0x1082  }
0x22: {  	[simem:s7], [sflag:s8] =	dma.local @!p0 [hbm:s6], $0xF7A  }
0x23: {  	s9 =	sor.u32 $0xD0000000, s2;
	s6 =	simm.s32 $0x108;
	_ =	swait.ge @!p0 [sflag:s8], $0x0  }
0x24: {  	s3 =	sadd.s32 $0x88, s3;
	s6 =	simm.s32 @!p1 $0x1082;
	[sflag:s4] =	ssyncset.s32 $0xFFFFF086  }
0x25: {  	[simem:s6], [sflag:s4] =	dma.local [hbm:s3], $0xF7A  }
0x26: {  	[smem:$0x3FA0] =	sst s1;
	(tag) =	ssettag s2;
	_ =	strace s9  }
0x27: {  	s1 =	sld [smem:$0x3FB0]  }
0x28: {  	s2 =	sld [smem:$0x3FB1]  }
0x29: {  	s4 =	sld [smem:$0x3FB3]  }
0x2a: {  	p0 =	seq.s32 s5, $0x0;
	s5 =	sld [smem:$0x3FB4]  }
0x2b: {  	s6 =	sld [smem:$0x3FB5]  }
0x2c: {  	s7 =	sld [smem:$0x3FB6]  }
0x2d: {  	s3 =	simm.s32 $0x108;
	s8 =	sld [smem:$0x3FB7]  }
0x2e: {  	s3 =	simm.s32 @!p0 $0x1082;
	s9 =	sld [smem:$0x3FB8]  }
0x2f: {  	lr =	sadd.s32 s0, s3;
	s0 =	sld [smem:$0x3FAF]  }
0x30: {  	s3 =	sld [smem:$0x3FB2]  }
0x31: {  	[smem:$0x3FBB] =	sst s10  }
0x32: {  	s10 =	sld [smem:$0x3FB9];
	_ =	sdelay $0x3  }
0x33: {  	p0 =	seq.s32 s10, $0x1;
	s10 =	sld [smem:$0x3FBB];
	_ =	sdelay $0x3  }
0x34: {  	[smem:$0x3FBB] =	sst s10  }
0x35: {  	s10 =	sld [smem:$0x3FBA];
	_ =	sdelay $0x3  }
0x36: {  	p1 =	seq.s32 s10, $0x1;
	s10 =	sld [smem:$0x3FBB];
	_ =	sdelay $0x3  }
0x37: {  	[smem:$0x3FBB] =	sst s10  }
0x38: {  	s10 =	sld [smem:$0x3FBC]  }
0x39: {  	_ = 	snop;
	(pc) =	sbr.ind lr, $3  }
0x3a: {  	_ = 	snop  }
0x3b: {  	_ = 	snop  }
0x3c: {  	p2 =	seq.s32 s10, $0x1;
	s10 =	sld [smem:$0x3FBB]  }
0x3d: {  	_ =	shalt  }
0x3e: {  	_ =	shalt  }
0x3f: {  	_ =	shalt  }
0x40: {  	_ =	shalt  }
0x41: {  	_ =	shalt  }
0x42: {  	_ =	shalt  }
0x43: {  	_ =	shalt  }
0x44: {  	_ =	shalt  }
0x45: {  	_ =	shalt  }
0x46: {  	_ =	shalt  }
0x47: {  	_ =	shalt  }
0x48: {  	_ =	shalt  }
0x49: {  	_ =	shalt  }
0x4a: {  	_ =	shalt  }
0x4b: {  	_ =	shalt  }
0x4c: {  	_ =	shalt  }
0x4d: {  	_ =	shalt  }
0x4e: {  	_ =	shalt  }
0x4f: {  	_ =	shalt  }
0x50: {  	_ =	shalt  }
0x51: {  	_ =	shalt  }
0x52: {  	_ =	shalt  }
0x53: {  	_ =	shalt  }
0x54: {  	_ =	shalt  }
0x55: {  	_ =	shalt  }
0x56: {  	_ =	shalt  }
0x57: {  	_ =	shalt  }
0x58: {  	_ =	shalt  }
0x59: {  	_ =	shalt  }
0x5a: {  	_ =	shalt  }
0x5b: {  	_ =	shalt  }
0x5c: {  	_ =	shalt  }
0x5d: {  	_ =	shalt  }
0x5e: {  	_ =	shalt  }
0x5f: {  	_ =	shalt  }
0x60: {  	_ =	shalt  }
0x61: {  	_ =	shalt  }
0x62: {  	_ =	shalt  }
0x63: {  	_ =	shalt  }
0x64: {  	_ =	shalt  }
0x65: {  	_ =	shalt  }
0x66: {  	_ =	shalt  }
0x67: {  	_ =	shalt  }
0x68: {  	_ =	shalt  }
0x69: {  	_ =	shalt  }
0x6a: {  	_ =	shalt  }
0x6b: {  	_ =	shalt  }
0x6c: {  	_ =	shalt  }
0x6d: {  	_ =	shalt  }
0x6e: {  	_ =	shalt  }
0x6f: {  	_ =	shalt  }
0x70: {  	_ =	shalt  }
0x71: {  	_ =	shalt  }
0x72: {  	_ =	shalt  }
0x73: {  	_ =	shalt  }
0x74: {  	_ =	shalt  }
0x75: {  	_ =	shalt  }
0x76: {  	_ =	shalt  }
0x77: {  	_ =	shalt  }
0x78: {  	_ =	shalt  }
0x79: {  	_ =	shalt  }
0x7a: {  	_ =	shalt  }
0x7b: {  	_ =	shalt  }
0x7c: {  	_ =	shalt  }
0x7d: {  	_ =	shalt  }
0x7e: {  	_ =	shalt  }
0x7f: {  	_ =	shalt  }
0x80: {  	_ =	shalt  }
0x81: {  	_ =	shalt  }
0x82: {  	_ =	shalt  }
0x83: {  	_ =	shalt  }
0x84: {  	_ =	shalt  }
0x85: {  	_ =	shalt  }
0x86: {  	_ =	shalt  }
0x87: {  	_ =	shalt  }
.Lfunc_end0:
.L_simem_size_0:
called_computation_lowered:
.L_overlay_start_0:
0x88: {  	s2 =	sld [smem:$0x3FD9]  }
0x89: {  	s3 =	sld [smem:$0x3FFE];
	_ =	sdelay $0x1  }
0x8a: {  	s1 =	srdreg.scid  }
0x8b: {  	s0 =	sand.u32 $0x1, s1  }
0x8c: {  	s18 =	sshll.u32 s0, $0xA;
	s2 =	sadd.s32 s3, s2  }
0x8d: {  	s2 =	sadd.s32 s2, s18  }
0x8e: {  	[smem:$0x3FC7] =	sst s2  }
0x8f: {  	_ = 	snop  }
0x90: {  	s2 =	sld [smem:$0x3FC9]  }
0x91: {  	s19 =	sld [smem:$0x3FD0];
	(tm) =	ssettm $0x1  }
0x92: {  	s4 =	sld [smem:$0x3FFB];
	_ =	sdelay $0x3  }
0x93: {  	_ =	strace s4  }
0x94: {  	s4 =	sld [smem:$0x3FFC];
	_ =	sdelay $0x3  }
0x95: {  	_ =	strace s4  }
0x96: {  	s4 =	sld [smem:$0x3FFD];
	_ =	sdelay $0x3  }
0x97: {  	_ =	strace s4  }
0x98: {  	_ =	strace $0x8FFFFFFF  }
0x99: {  	s20 =	sld [smem:$0x3FDB];
	_ =	sdelay $0x1  }
0x9a: {  	s5 =	simm.s32 $_scs_section_size  }
0x9b: {  	s6 =	simm.s32 $_size__tile_overlayer_lowered;
	s7 =	simm.s32 $_tile_overlayer_lowered  }
0x9c: {  	s23 =	simm.s32 $0x1BFF;
	s22 =	sshll.u32 s7, $0x1;
	s4 =	sadd.s32 s5, s20  }
0x9d: {  	s8 =	simm.s32 $0x0;
	s21 =	sshll.u32 s6, $0x1;
	s6 =	sadd.s32 s22, s4  }
0x9e: {  	[timem:s8], [sflag:s23] =	dma.local [hbm:s6], s21  }
0x9f: {  	_ =	swait.ge [sflag:s23], s21  }
0xa0: {  	s5 =	ssub.s32 $0x0, s21;
	[sflag:s23] =	ssyncset.done $0x0  }
0xa1: {  	[sflag:s23] =	ssyncadd.s32 s5;
	_ =	sdelay $0x1  }
0xa2: {  	s24 =	simm.s32 $0x1B8B  }
0xa3: {  	_ =	swait.ge [sflag:s24], $0x1  }
0xa4: {  	[sflag:s24] =	ssyncset.done $0x0  }
0xa5: {  	s25 =	simm.s32 $0x1B8E;
	[sflag:s24] =	ssyncadd.s32 $0xFFFFFFFF  }
0xa6: {  	s26 =	simm.s32 $execute0_lowered;
	[smem:$0x3FD2] =	sst s25  }
0xa7: {  	s5 =	sshll.u32 s26, $0x1;
	_ =	strace $0x80000046;
	[dreg:$0x1] =	wrdreg $0xFFFFFFFF  }
0xa8: {  	s28 =	simm.s32 $_size_execute0_lowered;
	s4 =	sadd.s32 s4, s5;
	[dreg:$0x0] =	wrdreg $0x0  }
0xa9: {  	s5 =	sshll.u32 s28, $0x1;
	[dreg:$0x2] =	wrdreg s4  }
0xaa: {  	[dreg:$0x3] =	wrdreg s5  }
0xab: {  	[dreg:$0x4] =	wrdreg $0xC0  }
0xac: {  	_ =	task [dreg:s8], $0x5FFFF  }
0xad: {  	[dreg:$0x1] =	wrdreg $0xFFFFFFFF  }
0xae: {  	[dreg:$0x0] =	wrdreg $0x60  }
0xaf: {  	[dreg:$0x2] =	wrdreg s2  }
0xb0: {  	[dreg:$0x3] =	wrdreg s19  }
0xb1: {  	[dreg:$0x4] =	wrdreg $0x9  }
0xb2: {  	_ =	task.clear_ibuf [dreg:s8], $0x5FFFF;
	_ =	strace $0x90000046  }
0xb3: {  	s29 =	simm.s32 $0x9;
	_ =	strace $0x80000048  }
0xb4: {  	_ =	swait.ge [sflag:s29], $0x1  }
0xb5: {  	[sflag:s29] =	ssyncadd.s32 $0xFFFFFFFF  }
0xb6: {  	_ =	strace $0x90000048  }
0xb7: {  	_ =	sfence  }
0xb8: {  	s30 =	sld [smem:$0x0];
	_ =	sdelay $0x2  }
0xb9: {  	s31 =	sshll.u32 s1, $0xD;
	s1 =	sshrl.u32 s1, $0x2  }
0xba: {  	s3 =	sand.u32 $0x4000, s31;
	s1 =	sadd.s32 s1, s30  }
0xbb: {  	s0 =	sor.u32 s3, s0;
	s1 =	sshll.u32 s1, $0x11  }
0xbc: {  	s0 =	sor.u32 s1, s0  }
0xbd: {  	s0 =	sadd.s32 $0x8F2B, s0  }
0xbe: {  	[sflag:s0] =	ssyncadd.remote.s32 $0x1  }
0xbf: {  	_ =	sfence.sel $0xFFFF  }
0xc0: {  	[dreg:$0x0] =	wrdreg $0xFFFFFFFF;
	(pc) =	sbr.abs _section_cstart, $3  }
0xc1: {  	[dreg:$0x1] =	wrdreg $0xFFFFFFFF  }
0xc2: {  	_ =	task.clear_ibuf [dreg:s8], $0x2FFFF;
	_ =	strace $0x9FFFFFFF  }
0xc3: {  	(tm) =	ssettm $0x7FFFFFFF  }
tec
execute0_lowered:
.L_overlay_start_1:
0x0: {  	(tag) =	ssettag $0x1  }
0x1: {  	v0 =	vimm.s32 $0x1380  }
0x2: {  	vm14 =	vcmask $0x300;
	vm13 =	vcmask $0x704;
	vm12 =	vcmask $0xB08  }
0x3: {  	vm11 =	vcmask $0xF0C;
	vm10 =	vcmask $0x1310;
	vm9 =	vcmask $0x1714  }
0x4: {  	vm8 =	vcmask $0x1B18;
	vm7 =	vcmask $0x1F1C;
	vm6 =	vcmask $0x2320  }
0x5: {  	vm5 =	vcmask $0x2724;
	vm4 =	vcmask $0x2B28;
	vm3 =	vcmask $0x2F2C  }
0x6: {  	vm2 =	vcmask $0x3330;
	vm1 =	vcmask $0x3734;
	vm0 =	vcmask $0x3B38  }
0x7: {  	v1 =	vimm.s32 $0x3380;
	v2 =	vimm.s32 $0x5380;
	v3 =	vimm.s32 $0x7380  }
0x8: {  	v0 =	vsel vm14, $0x0, v0;
	v1 =	vsel vm14, $0x2000, v1;
	v2 =	vsel vm14, $0x4000, v2  }
0x9: {  	v3 =	vsel vm14, $0x6000, v3;
	v0 =	vsel vm13, $0x80, v0;
	v1 =	vsel vm13, $0x2080, v1  }
0xa: {  	v2 =	vsel vm13, $0x4080, v2;
	v3 =	vsel vm13, $0x6080, v3;
	v0 =	vsel vm12, $0x100, v0  }
0xb: {  	s1 =	rddreg [dreg:$0x0];
	v1 =	vsel vm12, $0x2100, v1;
	v2 =	vsel vm12, $0x4100, v2;
	v3 =	vsel vm12, $0x6100, v3  }
0xc: {  	s0 =	rddreg [dreg:$0x1];
	s2 =	srdreg.scid;
	v0 =	vsel vm11, $0x180, v0;
	v1 =	vsel vm11, $0x2180, v1;
	v2 =	vsel vm11, $0x4180, v2  }
0xd: {  	s4 =	stileid.u32;
	s16 =	simm.s32 $0x8000;
	s17 =	simm.s32 $0x10000;
	v3 =	vsel vm11, $0x6180, v3;
	v0 =	vsel vm10, $0x200, v0;
	v1 =	vsel vm10, $0x2200, v1  }
0xe: {  	s18 =	simm.s32 $0x1;
	s19 =	simm.s32 $0x2;
	s20 =	simm.s32 $0x400;
	v2 =	vsel vm10, $0x4200, v2;
	v3 =	vsel vm10, $0x6200, v3;
	v0 =	vsel vm9, $0x280, v0  }
0xf: {  	s21 =	simm.s32 $0x20000;
	s22 =	simm.s32 $0x18000;
	s23 =	simm.s32 $0x3;
	v1 =	vsel vm9, $0x2280, v1;
	v2 =	vsel vm9, $0x4280, v2;
	v3 =	vsel vm9, $0x6280, v3  }
0x10: {  	s24 =	simm.s32 $0x1A000;
	s25 =	simm.s32 $0x4;
	s28 =	simm.s32 $0x0;
	v0 =	vsel vm8, $0x300, v0;
	v1 =	vsel vm8, $0x2300, v1;
	v2 =	vsel vm8, $0x4300, v2  }
0x11: {  	s3 =	sand.u32 $0x1, s2;
	s2 =	simm.s32 $0x0;
	s4 =	sshll.u32 s4, $0xA;
	v3 =	vsel vm8, $0x6300, v3;
	v0 =	vsel vm7, $0x380, v0;
	v1 =	vsel vm7, $0x2380, v1  }
0x12: {  	s5 =	sshll.u32 s3, $0x9;
	[smem:$0x7FF] =	sst s2;
	s26 =	ssub.s32 $0x2, s3;
	v2 =	vsel vm7, $0x4380, v2;
	v3 =	vsel vm7, $0x6380, v3;
	v0 =	vsel vm6, $0x1000, v0  }
0x13: {  	s4 =	sor.u32 s5, s4;
	_ =	strace $0x80000047;
	s6 =	sshrl.u32 s26, $0x1;
	v1 =	vsel vm6, $0x3000, v1;
	v2 =	vsel vm6, $0x5000, v2;
	v3 =	vsel vm6, $0x7000, v3  }
0x14: {  	s29 =	sshll.u32 s4, $0x6;
	s10 =	sor.u32 $0x80, s4;
	s15 =	ssub.s32 s26, s6;
	v0 =	vsel vm5, $0x1080, v0;
	v1 =	vsel vm5, $0x3080, v1;
	v2 =	vsel vm5, $0x5080, v2  }
0x15: {  	s13 =	sor.u32 $0x100, s4;
	s7 =	sadd.s32 s0, s4;
	s4 =	sor.u32 $0x180, s4;
	v3 =	vsel vm5, $0x7080, v3;
	v0 =	vsel vm4, $0x1100, v0;
	v1 =	vsel vm4, $0x3100, v1  }
0x16: {  	s26 =	simm.s32 $0x5;
	s3 =	sadd.s32 s1, s29;
	s31 =	sshll.u32 s10, $0x6;
	v2 =	vsel vm4, $0x5100, v2;
	v3 =	vsel vm4, $0x7100, v3;
	v0 =	vsel vm3, $0x1180, v0  }
0x17: {  	s8 =	sshll.u32 s13, $0x6;
	s11 =	sshll.u32 s4, $0x6;
	s10 =	sadd.s32 s0, s10;
	v1 =	vsel vm3, $0x3180, v1;
	v2 =	vsel vm3, $0x5180, v2;
	v3 =	vsel vm3, $0x7180, v3  }
0x18: {  	s13 =	sadd.s32 s0, s13;
	s14 =	sadd.s32 s0, s4;
	s15 =	smax.u32 s15, $0x1;
	v0 =	vsel vm2, $0x1200, v0;
	v1 =	vsel vm2, $0x3200, v1;
	v2 =	vsel vm2, $0x5200, v2  }
0x19: {  	s30 =	sadd.s32 $0x1000, s3;
	s5 =	sadd.s32 s1, s31;
	s6 =	sadd.s32 $0x3000, s3;
	v3 =	vsel vm2, $0x7200, v3;
	v0 =	vsel vm1, $0x1280, v0;
	v1 =	vsel vm1, $0x3280, v1  }
0x1a: {  	s8 =	sadd.s32 s1, s8;
	s9 =	sadd.s32 $0x5000, s3;
	[dreg:$0x3] =	wrdreg s30;
	v2 =	vsel vm1, $0x5280, v2;
	v3 =	vsel vm1, $0x7280, v3;
	v0 =	vsel vm0, $0x1300, v0  }
0x1b: {  	s11 =	sadd.s32 s1, s11;
	s12 =	sadd.s32 $0x7000, s3;
	[dreg:$0x4] =	wrdreg s5;
	v1 =	vsel vm0, $0x3300, v1;
	v2 =	vsel vm0, $0x5300, v2;
	v3 =	vsel vm0, $0x7300, v3  }
.LBB2_1:
0x1c: {  	v4 =	vmov s2  }
0x1d: {  	[tilespmem:s2], [sflag:$0x1] =	stream.linear.gather [hbm4b:s3+s2], $0x8000, $0x38;
	v5 =	vshll.u32 v4, $0x3;
	[tilespmem:$0x1C000] =	vst v63  }
0x1e: {  	s0 =	simm.s32 $0x8;
	s1 =	rddreg [dreg:$0x3];
	v4 =	vand.u32 $0x70, v4;
	v5 =	vand.u32 $0xC00, v5  }
0x1f: {  	[tilespmem:s16], [sflag:$0x2] =	stream.linear.gather [hbm4b:s1+s2], $0x8000, $0x38;
	v6 =	vor.u32 v4, v5;
	v4 =	vmov s0;
	[tilespmem:$0x1C000] =	vst v63  }
0x20: {  	s1 =	rddreg [dreg:$0x4];
	v5 =	vor.u32 v0, v6;
	v7 =	vshll.u32 v4, $0x3  }
0x21: {  	[tilespmem:s17], [sflag:$0x3] =	stream.linear.gather [hbm4b:s1+s2], $0x8000, $0x38;
	v4 =	vand.u32 $0x78, v4;
	v7 =	vand.u32 $0xC00, v7;
	[tilespmem:$0x1C000] =	vst v63  }
0x22: {  	s4 =	simm.s32 $0x10;
	_ =	swait.ge [sflag:s18], $0x8000;
	v7 =	vor.u32 v4, v7  }
0x23: {  	[sflag:s18] =	ssyncset.done $0x0;
	v4 =	vmov s4;
	v8 =	vor.u32 v0, v7  }
0x24: {  	[sflag:s18] =	ssyncadd.s32 $0xFFFF8000;
	v9 =	vshll.u32 v4, $0x3  }
0x25: {  	s5 =	simm.s32 $0x18;
	v4 =	vand.u32 $0x70, v4;
	v9 =	vand.u32 $0xC00, v9;
	v5 =	vld.idx.msk [tilespmem:v5+s2+$0x0], $0xffff  }
0x26: {  	v10 =	vmov s5;
	v9 =	vor.u32 v4, v9;
	v4 =	vor.u32 v1, v6  }
0x27: {  	v12 =	vshll.u32 v10, $0x3;
	v11 =	vor.u32 v0, v9  }
0x28: {  	v10 =	vand.u32 $0x78, v10;
	v12 =	vand.u32 $0xC00, v12;
	v8 =	vld.idx.msk [tilespmem:v8+s2+$0x0], $0xffff  }
0x29: {  	s30 =	simm.s32 $0x18080;
	v10 =	vor.u32 v10, v12;
	s1 =	simm.s32 $0x20;
	v12 =	vor.u32 v1, v7  }
0x2a: {  	v13 =	vor.u32 v0, v10;
	[tilespmem:s30+$0xFFFFFF80] =	vst v5;
	v5 =	vmov s1  }
0x2b: {  	v14 =	vld.idx.msk [tilespmem:v4+s2+$0x0], $0xffff;
	v4 =	vshll.u32 v5, $0x3  }
0x2c: {  	v15 =	vor.u32 v2, v6;
	s4 =	simm.s32 $0x28;
	v5 =	vand.u32 $0x70, v5;
	v11 =	vld.idx.msk [tilespmem:v11+s2+$0x0], $0xffff;
	v4 =	vand.u32 $0xC00, v4  }
0x2d: {  	v16 =	vor.u32 v1, v9;
	v4 =	vor.u32 v5, v4;
	[tilespmem:s30+$0x0] =	vst v8;
	v5 =	vmov s4  }
0x2e: {  	v8 =	vor.u32 v0, v4;
	v12 =	vld.idx.msk [tilespmem:v12+s2+$0x0], $0xffff;
	v17 =	vshll.u32 v5, $0x3  }
0x2f: {  	v18 =	vor.u32 v2, v7;
	v13 =	vld.idx.msk [tilespmem:v13+s2+$0x0], $0xffff;
	v5 =	vand.u32 $0x78, v5;
	v17 =	vand.u32 $0xC00, v17  }
0x30: {  	s29 =	simm.s32 $0x18180;
	s5 =	simm.s32 $0x30;
	[tilespmem:s30+$0xFFFFFF90] =	vst v14;
	v5 =	vor.u32 v5, v17;
	v14 =	vor.u32 v1, v10  }
0x31: {  	[tilespmem:s29+$0xFFFFFF80] =	vst v11;
	v11 =	vld.idx.msk [tilespmem:v15+s2+$0x0], $0xffff;
	v15 =	vmov s5;
	v17 =	vor.u32 v0, v5  }
0x32: {  	v20 =	vor.u32 v3, v6;
	v16 =	vld.idx.msk [tilespmem:v16+s2+$0x0], $0xffff;
	v19 =	vshll.u32 v15, $0x3  }
0x33: {  	v6 =	vand.u32 $0x70, v15;
	v8 =	vld.idx.msk [tilespmem:v8+s2+$0x0], $0xffff;
	v15 =	vand.u32 $0xC00, v19;
	v19 =	vor.u32 v2, v9;
	[tilespmem:s30+$0x10] =	vst v12  }
0x34: {  	s1 =	simm.s32 $0x38;
	[tilespmem:s29+$0x0] =	vst v13;
	v12 =	vor.u32 v1, v4;
	v6 =	vor.u32 v6, v15;
	v13 =	vld.idx.msk [tilespmem:v18+s2+$0x0], $0xffff  }
0x35: {  	v18 =	vmov s1;
	v15 =	vor.u32 v0, v6;
	v14 =	vld.idx.msk [tilespmem:v14+s2+$0x0], $0xffff  }
0x36: {  	v21 =	vshll.u32 v18, $0x3;
	v17 =	vld.idx.msk [tilespmem:v17+s2+$0x0], $0xffff;
	[tilespmem:s30+$0xFFFFFFA0] =	vst v11;
	v11 =	vor.u32 v3, v7  }
0x37: {  	s31 =	simm.s32 $0x18280;
	v7 =	vand.u32 $0x78, v18;
	v18 =	vand.u32 $0xC00, v21;
	[tilespmem:s29+$0xFFFFFF90] =	vst v16;
	v16 =	vor.u32 v2, v10;
	v20 =	vld.idx.msk [tilespmem:v20+s2+$0x0], $0xffff  }
0x38: {  	s4 =	simm.s32 $0x40;
	v7 =	vor.u32 v7, v18;
	v18 =	vor.u32 v1, v5;
	[tilespmem:s31+$0xFFFFFF80] =	vst v8;
	v21 =	vld.idx.msk [tilespmem:v19+s2+$0x0], $0xffff  }
0x39: {  	v22 =	vor.u32 v0, v7;
	v8 =	vmov s4;
	v23 =	vld.idx.msk [tilespmem:v12+s2+$0x0], $0xffff  }
0x3a: {  	v9 =	vor.u32 v3, v9;
	[tilespmem:s30+$0x20] =	vst v13;
	v12 =	vshll.u32 v8, $0x3;
	v24 =	vld.idx.msk [tilespmem:v15+s2+$0x0], $0xffff  }
0x3b: {  	v25 =	vor.u32 v2, v4;
	v8 =	vand.u32 $0x70, v8;
	[tilespmem:s29+$0x10] =	vst v14;
	v13 =	vld.idx.msk [tilespmem:v11+s2+$0x0], $0xffff;
	v11 =	vand.u32 $0xC00, v12  }
0x3c: {  	s5 =	simm.s32 $0x48;
	[tilespmem:s31+$0x0] =	vst v17;
	v14 =	vld.idx.msk [tilespmem:v16+s2+$0x0], $0xffff;
	v17 =	vor.u32 v1, v6;
	v8 =	vor.u32 v8, v11  }
0x3d: {  	v11 =	vmov s5;
	v15 =	vld.idx.msk [tilespmem:v18+s2+$0x0], $0xffff;
	[tilespmem:s30+$0xFFFFFFB0] =	vst v20;
	v19 =	vor.u32 v0, v8  }
0x3e: {  	v10 =	vor.u32 v3, v10;
	v16 =	vshll.u32 v11, $0x3;
	v12 =	vld.idx.msk [tilespmem:v22+s2+$0x0], $0xffff;
	[tilespmem:s29+$0xFFFFFFA0] =	vst v21  }
0x3f: {  	s0 =	simm.s32 $0x18380;
	v18 =	vand.u32 $0x78, v11;
	v11 =	vor.u32 v2, v5;
	v20 =	vand.u32 $0xC00, v16;
	[tilespmem:s31+$0xFFFFFF90] =	vst v23;
	v16 =	vld.idx.msk [tilespmem:v9+s2+$0x0], $0xffff  }
0x40: {  	s1 =	simm.s32 $0x8;
	s4 =	simm.s32 $0x50;
	v9 =	vor.u32 v18, v20;
	[tilespmem:s0+$0xFFFFFF80] =	vst v24;
	v20 =	vor.u32 v1, v7;
	v18 =	vld.idx.msk [tilespmem:v25+s2+$0x0], $0xffff  }
.LBB2_2:
0x41: {  	v21 =	vmov s4;
	s1 =	sadd.s32 $0x2, s1;
	v22 =	vor.u32 v0, v9;
	v23 =	vld.idx.msk [tilespmem:v17+s2+$0x0], $0xffff;
	[tilespmem:s30+$0x30] =	vst v13;
	s30 =	smov.u32 s29;
	s29 =	smov.u32 s31  }
0x42: {  	v24 =	vor.u32 v3, v4;
	v4 =	vmovc v6;
	s31 =	smov.u32 s0;
	v17 =	vand.u32 $0x70, v21;
	v13 =	vshll.u32 v21, $0x3;
	p0 =	slt.u32 s1, $0x3E;
	v21 =	vld.idx.msk [tilespmem:v19+s2+$0x0], $0xffff;
	[tilespmem:s30+$0x20] =	vst v14  }
0x43: {  	v6 =	vmov v8;
	v25 =	vor.u32 v2, v4;
	v14 =	vand.u32 $0xC00, v13;
	[tilespmem:s29+$0x10] =	vst v15;
	v13 =	vld.idx.msk [tilespmem:v10+s2+$0x0], $0xffff  }
.Ltmp0:
0x44: {  	s5 =	sadd.s32 $0x8, s4;
	v8 =	vor.u32 v17, v14;
	v17 =	vor.u32 v1, v6;
	[tilespmem:s0+$0x0] =	vst v12;
	v14 =	vld.idx.msk [tilespmem:v11+s2+$0x0], $0xffff;
	(pc) =	sbr.rel @p0 .LBB2_2-.Ltmp0, $4  }
0x45: {  	v11 =	vmov s5;
	v19 =	vor.u32 v0, v8;
	v15 =	vld.idx.msk [tilespmem:v20+s2+$0x0], $0xffff;
	[tilespmem:s30+$0xFFFFFFB0] =	vst v16  }
0x46: {  	v10 =	vor.u32 v3, v5;
	v5 =	vmovc v7;
	v7 =	vmov v9;
	v16 =	vshll.u32 v11, $0x3;
	v12 =	vld.idx.msk [tilespmem:v22+s2+$0x0], $0xffff;
	[tilespmem:s29+$0xFFFFFFA0] =	vst v18  }
0x47: {  	s0 =	sadd.s32 $0x100, s0;
	v9 =	vand.u32 $0x78, v11;
	v11 =	vor.u32 v2, v5;
	v18 =	vand.u32 $0xC00, v16;
	[tilespmem:s31+$0xFFFFFF90] =	vst v23;
	v16 =	vld.idx.msk [tilespmem:v24+s2+$0x0], $0xffff  }
0x48: {  	s4 =	sadd.s32 $0x10, s4;
	v20 =	vor.u32 v1, v7;
	v9 =	vor.u32 v9, v18;
	[tilespmem:s0+$0xFFFFFF80] =	vst v21;
	v18 =	vld.idx.msk [tilespmem:v25+s2+$0x0], $0xffff  }
0x49: {  	v21 =	vor.u32 v0, v9;
	_ =	sdelay $0x3  }
0x4a: {  	v19 =	vld.idx.msk [tilespmem:v19+s2+$0x0], $0xffff  }
0x4b: {  	[tilespmem:s30+$0x30] =	vst v13;
	v13 =	vor.u32 v1, v8;
	v21 =	vld.idx.msk [tilespmem:v21+s2+$0x0], $0xffff  }
0x4c: {  	[tilespmem:s29+$0x20] =	vst v14;
	v14 =	vor.u32 v1, v9  }
0x4d: {  	[tilespmem:s31+$0x10] =	vst v15  }
0x4e: {  	s1 =	sadd.s32 $0x100, s0;
	v15 =	vld.idx.msk [tilespmem:v17+s2+$0x0], $0xffff;
	[tilespmem:s0+$0x0] =	vst v12  }
0x4f: {  	v12 =	vor.u32 v2, v6;
	v17 =	vld.idx.msk [tilespmem:v20+s2+$0x0], $0xffff;
	[tilespmem:s1+$0xFFFFFF80] =	vst v19  }
0x50: {  	v19 =	vor.u32 v2, v7;
	v13 =	vld.idx.msk [tilespmem:v13+s2+$0x0], $0xffff;
	[tilespmem:s1+$0x0] =	vst v21  }
0x51: {  	[tilespmem:s29+$0xFFFFFFB0] =	vst v16;
	v16 =	vor.u32 v2, v8;
	v14 =	vld.idx.msk [tilespmem:v14+s2+$0x0], $0xffff  }
0x52: {  	v10 =	vld.idx.msk [tilespmem:v10+s2+$0x0], $0xffff;
	[tilespmem:s31+$0xFFFFFFA0] =	vst v18;
	v18 =	vor.u32 v2, v9  }
0x53: {  	v4 =	vor.u32 v3, v4;
	v11 =	vld.idx.msk [tilespmem:v11+s2+$0x0], $0xffff;
	[tilespmem:s0+$0xFFFFFF90] =	vst v15  }
0x54: {  	v5 =	vor.u32 v3, v5;
	v12 =	vld.idx.msk [tilespmem:v12+s2+$0x0], $0xffff;
	[tilespmem:s0+$0x10] =	vst v17  }
0x55: {  	v6 =	vor.u32 v3, v6;
	v15 =	vld.idx.msk [tilespmem:v19+s2+$0x0], $0xffff;
	[tilespmem:s1+$0xFFFFFF90] =	vst v13  }
0x56: {  	v7 =	vor.u32 v3, v7;
	v13 =	vld.idx.msk [tilespmem:v16+s2+$0x0], $0xffff;
	[tilespmem:s1+$0x10] =	vst v14  }
0x57: {  	v8 =	vor.u32 v3, v8;
	[tilespmem:s29+$0x30] =	vst v10;
	v10 =	vld.idx.msk [tilespmem:v18+s2+$0x0], $0xffff  }
0x58: {  	v9 =	vor.u32 v3, v9;
	v4 =	vld.idx.msk [tilespmem:v4+s2+$0x0], $0xffff;
	[tilespmem:s31+$0x20] =	vst v11  }
0x59: {  	v5 =	vld.idx.msk [tilespmem:v5+s2+$0x0], $0xffff;
	[tilespmem:s0+$0xFFFFFFA0] =	vst v12  }
0x5a: {  	v6 =	vld.idx.msk [tilespmem:v6+s2+$0x0], $0xffff;
	[tilespmem:s0+$0x20] =	vst v15  }
0x5b: {  	v7 =	vld.idx.msk [tilespmem:v7+s2+$0x0], $0xffff;
	[tilespmem:s1+$0xFFFFFFA0] =	vst v13  }
0x5c: {  	v8 =	vld.idx.msk [tilespmem:v8+s2+$0x0], $0xffff;
	[tilespmem:s1+$0x20] =	vst v10  }
0x5d: {  	s4 =	simm.s32 $0x0;
	[tilespmem:s31+$0xFFFFFFB0] =	vst v4;
	v4 =	vld.idx.msk [tilespmem:v9+s2+$0x0], $0xffff  }
0x5e: {  	[tilespmem:s31+$0x30] =	vst v5;
	v5 =	vmov s4  }
0x5f: {  	[tilespmem:s0+$0xFFFFFFB0] =	vst v6;
	v6 =	vshll.u32 v5, $0x3  }
0x60: {  	s5 =	simm.s32 $0x8;
	v5 =	vand.u32 $0x70, v5;
	v6 =	vand.u32 $0xC00, v6;
	[tilespmem:s0+$0x30] =	vst v7  }
0x61: {  	v6 =	vor.u32 v5, v6;
	v5 =	vmov s5;
	[tilespmem:s1+$0xFFFFFFB0] =	vst v8  }
0x62: {  	v7 =	vshll.u32 v5, $0x3;
	[tilespmem:s1+$0x30] =	vst v4;
	v4 =	vor.u32 v0, v6  }
0x63: {  	v5 =	vand.u32 $0x78, v5;
	v7 =	vand.u32 $0xC00, v7;
	[tilespmem:s4], [sflag:$0x1] =	stream.linear.gather [hbm4b:s6+s4], $0x8000, $0x38;
	[tilespmem:$0x1C000] =	vst v63  }
0x64: {  	v7 =	vor.u32 v5, v7;
	s4 =	simm.s32 $0x10;
	_ =	swait.ge [sflag:s19], $0x8000  }
0x65: {  	v8 =	vor.u32 v0, v7;
	v5 =	vmov s4;
	[sflag:s19] =	ssyncset.done $0x0  }
0x66: {  	v9 =	vshll.u32 v5, $0x3;
	[sflag:s19] =	ssyncadd.s32 $0xFFFF8000  }
0x67: {  	s5 =	simm.s32 $0x18;
	v5 =	vand.u32 $0x70, v5;
	v9 =	vand.u32 $0xC00, v9;
	v4 =	vld.idx.msk [tilespmem:v4+s16+$0x0], $0xffff  }
0x68: {  	v10 =	vmov s5;
	v9 =	vor.u32 v5, v9;
	v5 =	vor.u32 v1, v6  }
0x69: {  	v12 =	vshll.u32 v10, $0x3;
	v11 =	vor.u32 v0, v9  }
0x6a: {  	v10 =	vand.u32 $0x78, v10;
	v12 =	vand.u32 $0xC00, v12;
	v8 =	vld.idx.msk [tilespmem:v8+s16+$0x0], $0xffff  }
0x6b: {  	s30 =	simm.s32 $0x180C0;
	v10 =	vor.u32 v10, v12;
	v12 =	vor.u32 v1, v7;
	s1 =	simm.s32 $0x20  }
0x6c: {  	v13 =	vor.u32 v0, v10;
	[tilespmem:s30+$0xFFFFFF80] =	vst v4;
	v4 =	vmov s1  }
0x6d: {  	v5 =	vld.idx.msk [tilespmem:v5+s16+$0x0], $0xffff;
	v14 =	vshll.u32 v4, $0x3  }
0x6e: {  	v15 =	vor.u32 v2, v6;
	s4 =	simm.s32 $0x28;
	v4 =	vand.u32 $0x70, v4;
	v11 =	vld.idx.msk [tilespmem:v11+s16+$0x0], $0xffff;
	v14 =	vand.u32 $0xC00, v14  }
0x6f: {  	[tilespmem:s30+$0x0] =	vst v8;
	v8 =	vmov s4;
	v4 =	vor.u32 v4, v14;
	v14 =	vor.u32 v1, v9  }
0x70: {  	v12 =	vld.idx.msk [tilespmem:v12+s16+$0x0], $0xffff;
	v17 =	vshll.u32 v8, $0x3;
	v16 =	vor.u32 v0, v4  }
0x71: {  	v18 =	vor.u32 v2, v7;
	v13 =	vld.idx.msk [tilespmem:v13+s16+$0x0], $0xffff;
	v8 =	vand.u32 $0x78, v8;
	v17 =	vand.u32 $0xC00, v17  }
0x72: {  	s29 =	simm.s32 $0x181C0;
	s5 =	simm.s32 $0x30;
	[tilespmem:s30+$0xFFFFFF90] =	vst v5;
	v5 =	vor.u32 v8, v17;
	v8 =	vor.u32 v1, v10  }
0x73: {  	[tilespmem:s29+$0xFFFFFF80] =	vst v11;
	v11 =	vld.idx.msk [tilespmem:v15+s16+$0x0], $0xffff;
	v15 =	vmov s5;
	v17 =	vor.u32 v0, v5  }
0x74: {  	v20 =	vor.u32 v3, v6;
	v14 =	vld.idx.msk [tilespmem:v14+s16+$0x0], $0xffff;
	v19 =	vshll.u32 v15, $0x3  }
0x75: {  	[tilespmem:s30+$0x10] =	vst v12;
	v6 =	vand.u32 $0x70, v15;
	v15 =	vld.idx.msk [tilespmem:v16+s16+$0x0], $0xffff;
	v16 =	vand.u32 $0xC00, v19;
	v19 =	vor.u32 v2, v9  }
0x76: {  	s1 =	simm.s32 $0x38;
	[tilespmem:s29+$0x0] =	vst v13;
	v12 =	vor.u32 v1, v4;
	v13 =	vld.idx.msk [tilespmem:v18+s16+$0x0], $0xffff;
	v6 =	vor.u32 v6, v16  }
0x77: {  	v18 =	vmov s1;
	v16 =	vor.u32 v0, v6;
	v8 =	vld.idx.msk [tilespmem:v8+s16+$0x0], $0xffff  }
0x78: {  	v21 =	vshll.u32 v18, $0x3;
	v17 =	vld.idx.msk [tilespmem:v17+s16+$0x0], $0xffff;
	[tilespmem:s30+$0xFFFFFFA0] =	vst v11;
	v11 =	vor.u32 v3, v7  }
0x79: {  	s31 =	simm.s32 $0x182C0;
	v7 =	vand.u32 $0x78, v18;
	v18 =	vand.u32 $0xC00, v21;
	[tilespmem:s29+$0xFFFFFF90] =	vst v14;
	v14 =	vor.u32 v2, v10;
	v20 =	vld.idx.msk [tilespmem:v20+s16+$0x0], $0xffff  }
0x7a: {  	s4 =	simm.s32 $0x40;
	v7 =	vor.u32 v7, v18;
	[tilespmem:s31+$0xFFFFFF80] =	vst v15;
	v15 =	vor.u32 v1, v5;
	v18 =	vld.idx.msk [tilespmem:v19+s16+$0x0], $0xffff  }
0x7b: {  	v21 =	vor.u32 v0, v7;
	v22 =	vld.idx.msk [tilespmem:v12+s16+$0x0], $0xffff;
	v12 =	vmov s4  }
0x7c: {  	v9 =	vor.u32 v3, v9;
	[tilespmem:s30+$0x20] =	vst v13;
	v23 =	vld.idx.msk [tilespmem:v16+s16+$0x0], $0xffff;
	v16 =	vshll.u32 v12, $0x3  }
0x7d: {  	v24 =	vor.u32 v2, v4;
	[tilespmem:s29+$0x10] =	vst v8;
	v8 =	vand.u32 $0x70, v12;
	v13 =	vld.idx.msk [tilespmem:v11+s16+$0x0], $0xffff;
	v11 =	vand.u32 $0xC00, v16  }
0x7e: {  	s5 =	simm.s32 $0x48;
	[tilespmem:s31+$0x0] =	vst v17;
	v17 =	vor.u32 v1, v6;
	v14 =	vld.idx.msk [tilespmem:v14+s16+$0x0], $0xffff;
	v8 =	vor.u32 v8, v11  }
0x7f: {  	v11 =	vmov s5;
	[tilespmem:s30+$0xFFFFFFB0] =	vst v20;
	v15 =	vld.idx.msk [tilespmem:v15+s16+$0x0], $0xffff;
	v19 =	vor.u32 v0, v8  }
0x80: {  	v10 =	vor.u32 v3, v10;
	v16 =	vshll.u32 v11, $0x3;
	v12 =	vld.idx.msk [tilespmem:v21+s16+$0x0], $0xffff;
	[tilespmem:s29+$0xFFFFFFA0] =	vst v18  }
0x81: {  	s0 =	simm.s32 $0x183C0;
	v18 =	vand.u32 $0x78, v11;
	v11 =	vor.u32 v2, v5;
	v20 =	vand.u32 $0xC00, v16;
	[tilespmem:s31+$0xFFFFFF90] =	vst v22;
	v16 =	vld.idx.msk [tilespmem:v9+s16+$0x0], $0xffff  }
0x82: {  	s1 =	simm.s32 $0x8;
	s4 =	simm.s32 $0x50;
	v9 =	vor.u32 v18, v20;
	[tilespmem:s0+$0xFFFFFF80] =	vst v23;
	v20 =	vor.u32 v1, v7;
	v18 =	vld.idx.msk [tilespmem:v24+s16+$0x0], $0xffff  }
.LBB2_4:
0x83: {  	v21 =	vmov s4;
	s1 =	sadd.s32 $0x2, s1;
	v22 =	vor.u32 v0, v9;
	v23 =	vld.idx.msk [tilespmem:v17+s16+$0x0], $0xffff;
	[tilespmem:s30+$0x30] =	vst v13;
	s30 =	smov.u32 s29;
	s29 =	smov.u32 s31  }
0x84: {  	v24 =	vor.u32 v3, v4;
	v4 =	vmovc v6;
	s31 =	smov.u32 s0;
	v17 =	vand.u32 $0x70, v21;
	v13 =	vshll.u32 v21, $0x3;
	p0 =	slt.u32 s1, $0x3E;
	v21 =	vld.idx.msk [tilespmem:v19+s16+$0x0], $0xffff;
	[tilespmem:s30+$0x20] =	vst v14  }
0x85: {  	v6 =	vmov v8;
	v25 =	vor.u32 v2, v4;
	v14 =	vand.u32 $0xC00, v13;
	[tilespmem:s29+$0x10] =	vst v15;
	v13 =	vld.idx.msk [tilespmem:v10+s16+$0x0], $0xffff  }
.Ltmp1:
0x86: {  	s5 =	sadd.s32 $0x8, s4;
	v8 =	vor.u32 v17, v14;
	v17 =	vor.u32 v1, v6;
	[tilespmem:s0+$0x0] =	vst v12;
	v14 =	vld.idx.msk [tilespmem:v11+s16+$0x0], $0xffff;
	(pc) =	sbr.rel @p0 .LBB2_4-.Ltmp1, $4  }
0x87: {  	v11 =	vmov s5;
	v19 =	vor.u32 v0, v8;
	v15 =	vld.idx.msk [tilespmem:v20+s16+$0x0], $0xffff;
	[tilespmem:s30+$0xFFFFFFB0] =	vst v16  }
0x88: {  	v10 =	vor.u32 v3, v5;
	v5 =	vmovc v7;
	v7 =	vmov v9;
	v16 =	vshll.u32 v11, $0x3;
	v12 =	vld.idx.msk [tilespmem:v22+s16+$0x0], $0xffff;
	[tilespmem:s29+$0xFFFFFFA0] =	vst v18  }
0x89: {  	s0 =	sadd.s32 $0x100, s0;
	v9 =	vand.u32 $0x78, v11;
	v11 =	vor.u32 v2, v5;
	v18 =	vand.u32 $0xC00, v16;
	[tilespmem:s31+$0xFFFFFF90] =	vst v23;
	v16 =	vld.idx.msk [tilespmem:v24+s16+$0x0], $0xffff  }
0x8a: {  	s4 =	sadd.s32 $0x10, s4;
	v20 =	vor.u32 v1, v7;
	v9 =	vor.u32 v9, v18;
	[tilespmem:s0+$0xFFFFFF80] =	vst v21;
	v18 =	vld.idx.msk [tilespmem:v25+s16+$0x0], $0xffff  }
0x8b: {  	v21 =	vor.u32 v0, v9;
	_ =	sdelay $0x3  }
0x8c: {  	v19 =	vld.idx.msk [tilespmem:v19+s16+$0x0], $0xffff  }
0x8d: {  	[tilespmem:s30+$0x30] =	vst v13;
	v13 =	vor.u32 v1, v8;
	v21 =	vld.idx.msk [tilespmem:v21+s16+$0x0], $0xffff  }
0x8e: {  	[tilespmem:s29+$0x20] =	vst v14;
	v14 =	vor.u32 v1, v9  }
0x8f: {  	[tilespmem:s31+$0x10] =	vst v15  }
0x90: {  	s1 =	sadd.s32 $0x100, s0;
	v15 =	vld.idx.msk [tilespmem:v17+s16+$0x0], $0xffff;
	[tilespmem:s0+$0x0] =	vst v12  }
0x91: {  	v12 =	vor.u32 v2, v6;
	v17 =	vld.idx.msk [tilespmem:v20+s16+$0x0], $0xffff;
	[tilespmem:s1+$0xFFFFFF80] =	vst v19  }
0x92: {  	v19 =	vor.u32 v2, v7;
	v13 =	vld.idx.msk [tilespmem:v13+s16+$0x0], $0xffff;
	[tilespmem:s1+$0x0] =	vst v21  }
0x93: {  	[tilespmem:s29+$0xFFFFFFB0] =	vst v16;
	v16 =	vor.u32 v2, v8;
	v14 =	vld.idx.msk [tilespmem:v14+s16+$0x0], $0xffff  }
0x94: {  	v10 =	vld.idx.msk [tilespmem:v10+s16+$0x0], $0xffff;
	[tilespmem:s31+$0xFFFFFFA0] =	vst v18;
	v18 =	vor.u32 v2, v9  }
0x95: {  	v4 =	vor.u32 v3, v4;
	v11 =	vld.idx.msk [tilespmem:v11+s16+$0x0], $0xffff;
	[tilespmem:s0+$0xFFFFFF90] =	vst v15  }
0x96: {  	v5 =	vor.u32 v3, v5;
	v12 =	vld.idx.msk [tilespmem:v12+s16+$0x0], $0xffff;
	[tilespmem:s0+$0x10] =	vst v17  }
0x97: {  	v6 =	vor.u32 v3, v6;
	v15 =	vld.idx.msk [tilespmem:v19+s16+$0x0], $0xffff;
	[tilespmem:s1+$0xFFFFFF90] =	vst v13  }
0x98: {  	v7 =	vor.u32 v3, v7;
	v13 =	vld.idx.msk [tilespmem:v16+s16+$0x0], $0xffff;
	[tilespmem:s1+$0x10] =	vst v14  }
0x99: {  	v8 =	vor.u32 v3, v8;
	[tilespmem:s29+$0x30] =	vst v10;
	v10 =	vld.idx.msk [tilespmem:v18+s16+$0x0], $0xffff  }
0x9a: {  	v9 =	vor.u32 v3, v9;
	v4 =	vld.idx.msk [tilespmem:v4+s16+$0x0], $0xffff;
	[tilespmem:s31+$0x20] =	vst v11  }
0x9b: {  	v5 =	vld.idx.msk [tilespmem:v5+s16+$0x0], $0xffff;
	[tilespmem:s0+$0xFFFFFFA0] =	vst v12  }
0x9c: {  	v6 =	vld.idx.msk [tilespmem:v6+s16+$0x0], $0xffff;
	[tilespmem:s0+$0x20] =	vst v15  }
0x9d: {  	v7 =	vld.idx.msk [tilespmem:v7+s16+$0x0], $0xffff;
	[tilespmem:s1+$0xFFFFFFA0] =	vst v13  }
0x9e: {  	v8 =	vld.idx.msk [tilespmem:v8+s16+$0x0], $0xffff;
	[tilespmem:s1+$0x20] =	vst v10  }
0x9f: {  	[tilespmem:s31+$0xFFFFFFB0] =	vst v4;
	v4 =	vld.idx.msk [tilespmem:v9+s16+$0x0], $0xffff  }
0xa0: {  	[tilespmem:s31+$0x30] =	vst v5  }
0xa1: {  	s4 =	simm.s32 $0x0;
	[tilespmem:s0+$0xFFFFFFB0] =	vst v6  }
0xa2: {  	v5 =	vmov s4;
	[tilespmem:s0+$0x30] =	vst v7  }
0xa3: {  	v6 =	vshll.u32 v5, $0x3;
	[tilespmem:s1+$0xFFFFFFB0] =	vst v8  }
0xa4: {  	[tilespmem:s1+$0x30] =	vst v4;
	v4 =	vand.u32 $0x70, v5;
	v5 =	vand.u32 $0xC00, v6;
	s1 =	simm.s32 $0x8  }
0xa5: {  	[hbm4b:s7+s20] =	stream.strided.scatter [tilespmem:s22], [sflag:$0x4], $0x2000, s21, s20, $0x38;
	v6 =	vor.u32 v4, v5;
	v4 =	vmov s1;
	[tilespmem:$0x1C000] =	vst v63  }
0xa6: {  	v5 =	vor.u32 v0, v6;
	v7 =	vshll.u32 v4, $0x3  }
0xa7: {  	v4 =	vand.u32 $0x78, v4;
	[tilespmem:s16], [sflag:$0x2] =	stream.linear.gather [hbm4b:s8+s4], $0x8000, $0x38;
	v7 =	vand.u32 $0xC00, v7;
	[tilespmem:$0x1C000] =	vst v63  }
0xa8: {  	s4 =	simm.s32 $0x10;
	_ =	swait.ge [sflag:s23], $0x8000;
	v7 =	vor.u32 v4, v7  }
0xa9: {  	v4 =	vmov s4;
	[sflag:s23] =	ssyncset.done $0x0;
	v8 =	vor.u32 v0, v7  }
0xaa: {  	v9 =	vshll.u32 v4, $0x3;
	[sflag:s23] =	ssyncadd.s32 $0xFFFF8000  }
0xab: {  	s5 =	simm.s32 $0x18;
	v4 =	vand.u32 $0x70, v4;
	v9 =	vand.u32 $0xC00, v9;
	v5 =	vld.idx.msk [tilespmem:v5+s17+$0x0], $0xffff  }
0xac: {  	v10 =	vmov s5;
	v9 =	vor.u32 v4, v9;
	v4 =	vor.u32 v1, v6  }
0xad: {  	v12 =	vshll.u32 v10, $0x3;
	v11 =	vor.u32 v0, v9  }
0xae: {  	v10 =	vand.u32 $0x78, v10;
	v12 =	vand.u32 $0xC00, v12;
	v8 =	vld.idx.msk [tilespmem:v8+s17+$0x0], $0xffff  }
0xaf: {  	s30 =	simm.s32 $0x1A080;
	v10 =	vor.u32 v10, v12;
	s1 =	simm.s32 $0x20;
	v12 =	vor.u32 v1, v7  }
0xb0: {  	v13 =	vor.u32 v0, v10;
	[tilespmem:s30+$0xFFFFFF80] =	vst v5;
	v5 =	vmov s1  }
0xb1: {  	v14 =	vld.idx.msk [tilespmem:v4+s17+$0x0], $0xffff;
	v4 =	vshll.u32 v5, $0x3  }
0xb2: {  	v15 =	vor.u32 v2, v6;
	s4 =	simm.s32 $0x28;
	v5 =	vand.u32 $0x70, v5;
	v11 =	vld.idx.msk [tilespmem:v11+s17+$0x0], $0xffff;
	v4 =	vand.u32 $0xC00, v4  }
0xb3: {  	v16 =	vor.u32 v1, v9;
	v4 =	vor.u32 v5, v4;
	[tilespmem:s30+$0x0] =	vst v8;
	v5 =	vmov s4  }
0xb4: {  	v8 =	vor.u32 v0, v4;
	v12 =	vld.idx.msk [tilespmem:v12+s17+$0x0], $0xffff;
	v17 =	vshll.u32 v5, $0x3  }
0xb5: {  	v18 =	vor.u32 v2, v7;
	v13 =	vld.idx.msk [tilespmem:v13+s17+$0x0], $0xffff;
	v5 =	vand.u32 $0x78, v5;
	v17 =	vand.u32 $0xC00, v17  }
0xb6: {  	s29 =	simm.s32 $0x1A180;
	s5 =	simm.s32 $0x30;
	[tilespmem:s30+$0xFFFFFF90] =	vst v14;
	v5 =	vor.u32 v5, v17;
	v14 =	vor.u32 v1, v10  }
0xb7: {  	[tilespmem:s29+$0xFFFFFF80] =	vst v11;
	v11 =	vld.idx.msk [tilespmem:v15+s17+$0x0], $0xffff;
	v15 =	vmov s5;
	v17 =	vor.u32 v0, v5  }
0xb8: {  	v20 =	vor.u32 v3, v6;
	v16 =	vld.idx.msk [tilespmem:v16+s17+$0x0], $0xffff;
	v19 =	vshll.u32 v15, $0x3  }
0xb9: {  	v6 =	vand.u32 $0x70, v15;
	v8 =	vld.idx.msk [tilespmem:v8+s17+$0x0], $0xffff;
	v15 =	vand.u32 $0xC00, v19;
	v19 =	vor.u32 v2, v9;
	[tilespmem:s30+$0x10] =	vst v12  }
0xba: {  	s1 =	simm.s32 $0x38;
	[tilespmem:s29+$0x0] =	vst v13;
	v12 =	vor.u32 v1, v4;
	v6 =	vor.u32 v6, v15;
	v13 =	vld.idx.msk [tilespmem:v18+s17+$0x0], $0xffff  }
0xbb: {  	v18 =	vmov s1;
	v15 =	vor.u32 v0, v6;
	v14 =	vld.idx.msk [tilespmem:v14+s17+$0x0], $0xffff  }
0xbc: {  	v21 =	vshll.u32 v18, $0x3;
	v17 =	vld.idx.msk [tilespmem:v17+s17+$0x0], $0xffff;
	[tilespmem:s30+$0xFFFFFFA0] =	vst v11;
	v11 =	vor.u32 v3, v7  }
0xbd: {  	s31 =	simm.s32 $0x1A280;
	v7 =	vand.u32 $0x78, v18;
	v18 =	vand.u32 $0xC00, v21;
	[tilespmem:s29+$0xFFFFFF90] =	vst v16;
	v16 =	vor.u32 v2, v10;
	v20 =	vld.idx.msk [tilespmem:v20+s17+$0x0], $0xffff  }
0xbe: {  	s4 =	simm.s32 $0x40;
	v7 =	vor.u32 v7, v18;
	v18 =	vor.u32 v1, v5;
	[tilespmem:s31+$0xFFFFFF80] =	vst v8;
	v21 =	vld.idx.msk [tilespmem:v19+s17+$0x0], $0xffff  }
0xbf: {  	v22 =	vor.u32 v0, v7;
	v8 =	vmov s4;
	v23 =	vld.idx.msk [tilespmem:v12+s17+$0x0], $0xffff  }
0xc0: {  	v9 =	vor.u32 v3, v9;
	[tilespmem:s30+$0x20] =	vst v13;
	v12 =	vshll.u32 v8, $0x3;
	v24 =	vld.idx.msk [tilespmem:v15+s17+$0x0], $0xffff  }
0xc1: {  	v25 =	vor.u32 v2, v4;
	v8 =	vand.u32 $0x70, v8;
	[tilespmem:s29+$0x10] =	vst v14;
	v13 =	vld.idx.msk [tilespmem:v11+s17+$0x0], $0xffff;
	v11 =	vand.u32 $0xC00, v12  }
0xc2: {  	s5 =	simm.s32 $0x48;
	[tilespmem:s31+$0x0] =	vst v17;
	v14 =	vld.idx.msk [tilespmem:v16+s17+$0x0], $0xffff;
	v17 =	vor.u32 v1, v6;
	v8 =	vor.u32 v8, v11  }
0xc3: {  	v11 =	vmov s5;
	v15 =	vld.idx.msk [tilespmem:v18+s17+$0x0], $0xffff;
	[tilespmem:s30+$0xFFFFFFB0] =	vst v20;
	v19 =	vor.u32 v0, v8  }
0xc4: {  	v10 =	vor.u32 v3, v10;
	v16 =	vshll.u32 v11, $0x3;
	v12 =	vld.idx.msk [tilespmem:v22+s17+$0x0], $0xffff;
	[tilespmem:s29+$0xFFFFFFA0] =	vst v21  }
0xc5: {  	s0 =	simm.s32 $0x1A380;
	v18 =	vand.u32 $0x78, v11;
	v11 =	vor.u32 v2, v5;
	v20 =	vand.u32 $0xC00, v16;
	[tilespmem:s31+$0xFFFFFF90] =	vst v23;
	v16 =	vld.idx.msk [tilespmem:v9+s17+$0x0], $0xffff  }
0xc6: {  	s1 =	simm.s32 $0x8;
	s4 =	simm.s32 $0x50;
	v9 =	vor.u32 v18, v20;
	[tilespmem:s0+$0xFFFFFF80] =	vst v24;
	v20 =	vor.u32 v1, v7;
	v18 =	vld.idx.msk [tilespmem:v25+s17+$0x0], $0xffff  }
.LBB2_6:
0xc7: {  	v21 =	vmov s4;
	s1 =	sadd.s32 $0x2, s1;
	v22 =	vor.u32 v0, v9;
	v23 =	vld.idx.msk [tilespmem:v17+s17+$0x0], $0xffff;
	[tilespmem:s30+$0x30] =	vst v13;
	s30 =	smov.u32 s29;
	s29 =	smov.u32 s31  }
0xc8: {  	v24 =	vor.u32 v3, v4;
	v4 =	vmovc v6;
	s31 =	smov.u32 s0;
	v17 =	vand.u32 $0x70, v21;
	v13 =	vshll.u32 v21, $0x3;
	p0 =	slt.u32 s1, $0x3E;
	v21 =	vld.idx.msk [tilespmem:v19+s17+$0x0], $0xffff;
	[tilespmem:s30+$0x20] =	vst v14  }
0xc9: {  	v6 =	vmov v8;
	v25 =	vor.u32 v2, v4;
	v14 =	vand.u32 $0xC00, v13;
	[tilespmem:s29+$0x10] =	vst v15;
	v13 =	vld.idx.msk [tilespmem:v10+s17+$0x0], $0xffff  }
.Ltmp2:
0xca: {  	s5 =	sadd.s32 $0x8, s4;
	v8 =	vor.u32 v17, v14;
	v17 =	vor.u32 v1, v6;
	[tilespmem:s0+$0x0] =	vst v12;
	v14 =	vld.idx.msk [tilespmem:v11+s17+$0x0], $0xffff;
	(pc) =	sbr.rel @p0 .LBB2_6-.Ltmp2, $4  }
0xcb: {  	v11 =	vmov s5;
	v19 =	vor.u32 v0, v8;
	v15 =	vld.idx.msk [tilespmem:v20+s17+$0x0], $0xffff;
	[tilespmem:s30+$0xFFFFFFB0] =	vst v16  }
0xcc: {  	v10 =	vor.u32 v3, v5;
	v5 =	vmovc v7;
	v7 =	vmov v9;
	v16 =	vshll.u32 v11, $0x3;
	v12 =	vld.idx.msk [tilespmem:v22+s17+$0x0], $0xffff;
	[tilespmem:s29+$0xFFFFFFA0] =	vst v18  }
0xcd: {  	s0 =	sadd.s32 $0x100, s0;
	v9 =	vand.u32 $0x78, v11;
	v11 =	vor.u32 v2, v5;
	v18 =	vand.u32 $0xC00, v16;
	[tilespmem:s31+$0xFFFFFF90] =	vst v23;
	v16 =	vld.idx.msk [tilespmem:v24+s17+$0x0], $0xffff  }
0xce: {  	s4 =	sadd.s32 $0x10, s4;
	v20 =	vor.u32 v1, v7;
	v9 =	vor.u32 v9, v18;
	[tilespmem:s0+$0xFFFFFF80] =	vst v21;
	v18 =	vld.idx.msk [tilespmem:v25+s17+$0x0], $0xffff  }
0xcf: {  	v21 =	vor.u32 v0, v9;
	_ =	sdelay $0x3  }
0xd0: {  	v19 =	vld.idx.msk [tilespmem:v19+s17+$0x0], $0xffff  }
0xd1: {  	[tilespmem:s30+$0x30] =	vst v13;
	v13 =	vor.u32 v1, v8;
	v21 =	vld.idx.msk [tilespmem:v21+s17+$0x0], $0xffff  }
0xd2: {  	[tilespmem:s29+$0x20] =	vst v14;
	v14 =	vor.u32 v1, v9  }
0xd3: {  	[tilespmem:s31+$0x10] =	vst v15  }
0xd4: {  	s1 =	sadd.s32 $0x100, s0;
	v15 =	vld.idx.msk [tilespmem:v17+s17+$0x0], $0xffff;
	[tilespmem:s0+$0x0] =	vst v12  }
0xd5: {  	v12 =	vor.u32 v2, v6;
	v17 =	vld.idx.msk [tilespmem:v20+s17+$0x0], $0xffff;
	[tilespmem:s1+$0xFFFFFF80] =	vst v19  }
0xd6: {  	v19 =	vor.u32 v2, v7;
	v13 =	vld.idx.msk [tilespmem:v13+s17+$0x0], $0xffff;
	[tilespmem:s1+$0x0] =	vst v21  }
0xd7: {  	[tilespmem:s29+$0xFFFFFFB0] =	vst v16;
	v16 =	vor.u32 v2, v8;
	v14 =	vld.idx.msk [tilespmem:v14+s17+$0x0], $0xffff  }
0xd8: {  	v10 =	vld.idx.msk [tilespmem:v10+s17+$0x0], $0xffff;
	[tilespmem:s31+$0xFFFFFFA0] =	vst v18;
	v18 =	vor.u32 v2, v9  }
0xd9: {  	v4 =	vor.u32 v3, v4;
	v11 =	vld.idx.msk [tilespmem:v11+s17+$0x0], $0xffff;
	[tilespmem:s0+$0xFFFFFF90] =	vst v15  }
0xda: {  	v5 =	vor.u32 v3, v5;
	v12 =	vld.idx.msk [tilespmem:v12+s17+$0x0], $0xffff;
	[tilespmem:s0+$0x10] =	vst v17  }
0xdb: {  	v6 =	vor.u32 v3, v6;
	v15 =	vld.idx.msk [tilespmem:v19+s17+$0x0], $0xffff;
	[tilespmem:s1+$0xFFFFFF90] =	vst v13  }
0xdc: {  	v7 =	vor.u32 v3, v7;
	v13 =	vld.idx.msk [tilespmem:v16+s17+$0x0], $0xffff;
	[tilespmem:s1+$0x10] =	vst v14  }
0xdd: {  	v8 =	vor.u32 v3, v8;
	[tilespmem:s29+$0x30] =	vst v10;
	v10 =	vld.idx.msk [tilespmem:v18+s17+$0x0], $0xffff  }
0xde: {  	v9 =	vor.u32 v3, v9;
	v4 =	vld.idx.msk [tilespmem:v4+s17+$0x0], $0xffff;
	[tilespmem:s31+$0x20] =	vst v11  }
0xdf: {  	v5 =	vld.idx.msk [tilespmem:v5+s17+$0x0], $0xffff;
	[tilespmem:s0+$0xFFFFFFA0] =	vst v12  }
0xe0: {  	v6 =	vld.idx.msk [tilespmem:v6+s17+$0x0], $0xffff;
	[tilespmem:s0+$0x20] =	vst v15  }
0xe1: {  	v7 =	vld.idx.msk [tilespmem:v7+s17+$0x0], $0xffff;
	[tilespmem:s1+$0xFFFFFFA0] =	vst v13  }
0xe2: {  	v8 =	vld.idx.msk [tilespmem:v8+s17+$0x0], $0xffff;
	[tilespmem:s1+$0x20] =	vst v10  }
0xe3: {  	s4 =	simm.s32 $0x0;
	[tilespmem:s31+$0xFFFFFFB0] =	vst v4;
	v4 =	vld.idx.msk [tilespmem:v9+s17+$0x0], $0xffff  }
0xe4: {  	[tilespmem:s31+$0x30] =	vst v5;
	v5 =	vmov s4  }
0xe5: {  	[tilespmem:s0+$0xFFFFFFB0] =	vst v6;
	v6 =	vshll.u32 v5, $0x3  }
0xe6: {  	s5 =	simm.s32 $0x8;
	v5 =	vand.u32 $0x70, v5;
	v6 =	vand.u32 $0xC00, v6;
	[tilespmem:s0+$0x30] =	vst v7  }
0xe7: {  	v6 =	vor.u32 v5, v6;
	v5 =	vmov s5;
	[tilespmem:s1+$0xFFFFFFB0] =	vst v8  }
0xe8: {  	v7 =	vshll.u32 v5, $0x3;
	[tilespmem:s1+$0x30] =	vst v4;
	v4 =	vor.u32 v0, v6  }
0xe9: {  	v5 =	vand.u32 $0x78, v5;
	v7 =	vand.u32 $0xC00, v7;
	[tilespmem:s17], [sflag:$0x3] =	stream.linear.gather [hbm4b:s9+s4], $0x8000, $0x38;
	[tilespmem:$0x1C000] =	vst v63  }
0xea: {  	v7 =	vor.u32 v5, v7;
	s4 =	simm.s32 $0x10;
	_ =	swait.ge [sflag:s18], $0x8000  }
0xeb: {  	v8 =	vor.u32 v0, v7;
	v5 =	vmov s4;
	[sflag:s18] =	ssyncset.done $0x0  }
0xec: {  	v9 =	vshll.u32 v5, $0x3;
	[sflag:s18] =	ssyncadd.s32 $0xFFFF8000  }
0xed: {  	s5 =	simm.s32 $0x18;
	v5 =	vand.u32 $0x70, v5;
	v9 =	vand.u32 $0xC00, v9;
	v4 =	vld.idx.msk [tilespmem:v4+s2+$0x0], $0xffff  }
0xee: {  	v10 =	vmov s5;
	v9 =	vor.u32 v5, v9;
	v5 =	vor.u32 v1, v6  }
0xef: {  	v12 =	vshll.u32 v10, $0x3;
	v11 =	vor.u32 v0, v9  }
0xf0: {  	v10 =	vand.u32 $0x78, v10;
	v12 =	vand.u32 $0xC00, v12;
	v8 =	vld.idx.msk [tilespmem:v8+s2+$0x0], $0xffff  }
0xf1: {  	s30 =	simm.s32 $0x1A0C0;
	v10 =	vor.u32 v10, v12;
	v12 =	vor.u32 v1, v7;
	s1 =	simm.s32 $0x20  }
0xf2: {  	v13 =	vor.u32 v0, v10;
	[tilespmem:s30+$0xFFFFFF80] =	vst v4;
	v4 =	vmov s1  }
0xf3: {  	v5 =	vld.idx.msk [tilespmem:v5+s2+$0x0], $0xffff;
	v14 =	vshll.u32 v4, $0x3  }
0xf4: {  	v15 =	vor.u32 v2, v6;
	s4 =	simm.s32 $0x28;
	v4 =	vand.u32 $0x70, v4;
	v11 =	vld.idx.msk [tilespmem:v11+s2+$0x0], $0xffff;
	v14 =	vand.u32 $0xC00, v14  }
0xf5: {  	[tilespmem:s30+$0x0] =	vst v8;
	v8 =	vmov s4;
	v4 =	vor.u32 v4, v14;
	v14 =	vor.u32 v1, v9  }
0xf6: {  	v12 =	vld.idx.msk [tilespmem:v12+s2+$0x0], $0xffff;
	v17 =	vshll.u32 v8, $0x3;
	v16 =	vor.u32 v0, v4  }
0xf7: {  	v18 =	vor.u32 v2, v7;
	v13 =	vld.idx.msk [tilespmem:v13+s2+$0x0], $0xffff;
	v8 =	vand.u32 $0x78, v8;
	v17 =	vand.u32 $0xC00, v17  }
0xf8: {  	s29 =	simm.s32 $0x1A1C0;
	s5 =	simm.s32 $0x30;
	[tilespmem:s30+$0xFFFFFF90] =	vst v5;
	v5 =	vor.u32 v8, v17;
	v8 =	vor.u32 v1, v10  }
0xf9: {  	[tilespmem:s29+$0xFFFFFF80] =	vst v11;
	v11 =	vld.idx.msk [tilespmem:v15+s2+$0x0], $0xffff;
	v15 =	vmov s5;
	v17 =	vor.u32 v0, v5  }
0xfa: {  	v20 =	vor.u32 v3, v6;
	v14 =	vld.idx.msk [tilespmem:v14+s2+$0x0], $0xffff;
	v19 =	vshll.u32 v15, $0x3  }
0xfb: {  	[tilespmem:s30+$0x10] =	vst v12;
	v6 =	vand.u32 $0x70, v15;
	v15 =	vld.idx.msk [tilespmem:v16+s2+$0x0], $0xffff;
	v16 =	vand.u32 $0xC00, v19;
	v19 =	vor.u32 v2, v9  }
0xfc: {  	s1 =	simm.s32 $0x38;
	[tilespmem:s29+$0x0] =	vst v13;
	v12 =	vor.u32 v1, v4;
	v13 =	vld.idx.msk [tilespmem:v18+s2+$0x0], $0xffff;
	v6 =	vor.u32 v6, v16  }
0xfd: {  	v18 =	vmov s1;
	v16 =	vor.u32 v0, v6;
	v8 =	vld.idx.msk [tilespmem:v8+s2+$0x0], $0xffff  }
0xfe: {  	v21 =	vshll.u32 v18, $0x3;
	v17 =	vld.idx.msk [tilespmem:v17+s2+$0x0], $0xffff;
	[tilespmem:s30+$0xFFFFFFA0] =	vst v11;
	v11 =	vor.u32 v3, v7  }
0xff: {  	s31 =	simm.s32 $0x1A2C0;
	v7 =	vand.u32 $0x78, v18;
	v18 =	vand.u32 $0xC00, v21;
	[tilespmem:s29+$0xFFFFFF90] =	vst v14;
	v14 =	vor.u32 v2, v10;
	v20 =	vld.idx.msk [tilespmem:v20+s2+$0x0], $0xffff  }
0x100: {  	s4 =	simm.s32 $0x40;
	v7 =	vor.u32 v7, v18;
	[tilespmem:s31+$0xFFFFFF80] =	vst v15;
	v15 =	vor.u32 v1, v5;
	v18 =	vld.idx.msk [tilespmem:v19+s2+$0x0], $0xffff  }
0x101: {  	v21 =	vor.u32 v0, v7;
	v22 =	vld.idx.msk [tilespmem:v12+s2+$0x0], $0xffff;
	v12 =	vmov s4  }
0x102: {  	v9 =	vor.u32 v3, v9;
	[tilespmem:s30+$0x20] =	vst v13;
	v23 =	vld.idx.msk [tilespmem:v16+s2+$0x0], $0xffff;
	v16 =	vshll.u32 v12, $0x3  }
0x103: {  	v24 =	vor.u32 v2, v4;
	[tilespmem:s29+$0x10] =	vst v8;
	v8 =	vand.u32 $0x70, v12;
	v13 =	vld.idx.msk [tilespmem:v11+s2+$0x0], $0xffff;
	v11 =	vand.u32 $0xC00, v16  }
0x104: {  	s5 =	simm.s32 $0x48;
	[tilespmem:s31+$0x0] =	vst v17;
	v17 =	vor.u32 v1, v6;
	v14 =	vld.idx.msk [tilespmem:v14+s2+$0x0], $0xffff;
	v8 =	vor.u32 v8, v11  }
0x105: {  	v11 =	vmov s5;
	[tilespmem:s30+$0xFFFFFFB0] =	vst v20;
	v15 =	vld.idx.msk [tilespmem:v15+s2+$0x0], $0xffff;
	v19 =	vor.u32 v0, v8  }
0x106: {  	v10 =	vor.u32 v3, v10;
	v16 =	vshll.u32 v11, $0x3;
	v12 =	vld.idx.msk [tilespmem:v21+s2+$0x0], $0xffff;
	[tilespmem:s29+$0xFFFFFFA0] =	vst v18  }
0x107: {  	s0 =	simm.s32 $0x1A3C0;
	v18 =	vand.u32 $0x78, v11;
	v11 =	vor.u32 v2, v5;
	v20 =	vand.u32 $0xC00, v16;
	[tilespmem:s31+$0xFFFFFF90] =	vst v22;
	v16 =	vld.idx.msk [tilespmem:v9+s2+$0x0], $0xffff  }
0x108: {  	s1 =	simm.s32 $0x8;
	s4 =	simm.s32 $0x50;
	v9 =	vor.u32 v18, v20;
	[tilespmem:s0+$0xFFFFFF80] =	vst v23;
	v20 =	vor.u32 v1, v7;
	v18 =	vld.idx.msk [tilespmem:v24+s2+$0x0], $0xffff  }
.LBB2_8:
0x109: {  	v21 =	vmov s4;
	s1 =	sadd.s32 $0x2, s1;
	v22 =	vor.u32 v0, v9;
	v23 =	vld.idx.msk [tilespmem:v17+s2+$0x0], $0xffff;
	[tilespmem:s30+$0x30] =	vst v13;
	s30 =	smov.u32 s29;
	s29 =	smov.u32 s31  }
0x10a: {  	v24 =	vor.u32 v3, v4;
	v4 =	vmovc v6;
	s31 =	smov.u32 s0;
	v17 =	vand.u32 $0x70, v21;
	v13 =	vshll.u32 v21, $0x3;
	p0 =	slt.u32 s1, $0x3E;
	v21 =	vld.idx.msk [tilespmem:v19+s2+$0x0], $0xffff;
	[tilespmem:s30+$0x20] =	vst v14  }
0x10b: {  	v6 =	vmov v8;
	v25 =	vor.u32 v2, v4;
	v14 =	vand.u32 $0xC00, v13;
	[tilespmem:s29+$0x10] =	vst v15;
	v13 =	vld.idx.msk [tilespmem:v10+s2+$0x0], $0xffff  }
.Ltmp3:
0x10c: {  	s5 =	sadd.s32 $0x8, s4;
	v8 =	vor.u32 v17, v14;
	v17 =	vor.u32 v1, v6;
	[tilespmem:s0+$0x0] =	vst v12;
	v14 =	vld.idx.msk [tilespmem:v11+s2+$0x0], $0xffff;
	(pc) =	sbr.rel @p0 .LBB2_8-.Ltmp3, $4  }
0x10d: {  	v11 =	vmov s5;
	v19 =	vor.u32 v0, v8;
	v15 =	vld.idx.msk [tilespmem:v20+s2+$0x0], $0xffff;
	[tilespmem:s30+$0xFFFFFFB0] =	vst v16  }
0x10e: {  	v10 =	vor.u32 v3, v5;
	v5 =	vmovc v7;
	v7 =	vmov v9;
	v16 =	vshll.u32 v11, $0x3;
	v12 =	vld.idx.msk [tilespmem:v22+s2+$0x0], $0xffff;
	[tilespmem:s29+$0xFFFFFFA0] =	vst v18  }
0x10f: {  	s0 =	sadd.s32 $0x100, s0;
	v9 =	vand.u32 $0x78, v11;
	v11 =	vor.u32 v2, v5;
	v18 =	vand.u32 $0xC00, v16;
	[tilespmem:s31+$0xFFFFFF90] =	vst v23;
	v16 =	vld.idx.msk [tilespmem:v24+s2+$0x0], $0xffff  }
0x110: {  	s4 =	sadd.s32 $0x10, s4;
	v20 =	vor.u32 v1, v7;
	v9 =	vor.u32 v9, v18;
	[tilespmem:s0+$0xFFFFFF80] =	vst v21;
	v18 =	vld.idx.msk [tilespmem:v25+s2+$0x0], $0xffff  }
0x111: {  	v21 =	vor.u32 v0, v9;
	_ =	sdelay $0x3  }
0x112: {  	v19 =	vld.idx.msk [tilespmem:v19+s2+$0x0], $0xffff  }
0x113: {  	[tilespmem:s30+$0x30] =	vst v13;
	v13 =	vor.u32 v1, v8;
	v21 =	vld.idx.msk [tilespmem:v21+s2+$0x0], $0xffff  }
0x114: {  	[tilespmem:s29+$0x20] =	vst v14;
	v14 =	vor.u32 v1, v9  }
0x115: {  	[tilespmem:s31+$0x10] =	vst v15  }
0x116: {  	s1 =	sadd.s32 $0x100, s0;
	v15 =	vld.idx.msk [tilespmem:v17+s2+$0x0], $0xffff;
	[tilespmem:s0+$0x0] =	vst v12  }
0x117: {  	v12 =	vor.u32 v2, v6;
	v17 =	vld.idx.msk [tilespmem:v20+s2+$0x0], $0xffff;
	[tilespmem:s1+$0xFFFFFF80] =	vst v19  }
0x118: {  	v19 =	vor.u32 v2, v7;
	v13 =	vld.idx.msk [tilespmem:v13+s2+$0x0], $0xffff;
	[tilespmem:s1+$0x0] =	vst v21  }
0x119: {  	[tilespmem:s29+$0xFFFFFFB0] =	vst v16;
	v16 =	vor.u32 v2, v8;
	v14 =	vld.idx.msk [tilespmem:v14+s2+$0x0], $0xffff  }
0x11a: {  	v10 =	vld.idx.msk [tilespmem:v10+s2+$0x0], $0xffff;
	[tilespmem:s31+$0xFFFFFFA0] =	vst v18;
	v18 =	vor.u32 v2, v9  }
0x11b: {  	v4 =	vor.u32 v3, v4;
	v11 =	vld.idx.msk [tilespmem:v11+s2+$0x0], $0xffff;
	[tilespmem:s0+$0xFFFFFF90] =	vst v15  }
0x11c: {  	v5 =	vor.u32 v3, v5;
	v12 =	vld.idx.msk [tilespmem:v12+s2+$0x0], $0xffff;
	[tilespmem:s0+$0x10] =	vst v17  }
0x11d: {  	v6 =	vor.u32 v3, v6;
	v15 =	vld.idx.msk [tilespmem:v19+s2+$0x0], $0xffff;
	[tilespmem:s1+$0xFFFFFF90] =	vst v13  }
0x11e: {  	v7 =	vor.u32 v3, v7;
	v13 =	vld.idx.msk [tilespmem:v16+s2+$0x0], $0xffff;
	[tilespmem:s1+$0x10] =	vst v14  }
0x11f: {  	v8 =	vor.u32 v3, v8;
	[tilespmem:s29+$0x30] =	vst v10;
	v10 =	vld.idx.msk [tilespmem:v18+s2+$0x0], $0xffff  }
0x120: {  	v9 =	vor.u32 v3, v9;
	v4 =	vld.idx.msk [tilespmem:v4+s2+$0x0], $0xffff;
	[tilespmem:s31+$0x20] =	vst v11  }
0x121: {  	v5 =	vld.idx.msk [tilespmem:v5+s2+$0x0], $0xffff;
	[tilespmem:s0+$0xFFFFFFA0] =	vst v12  }
0x122: {  	v6 =	vld.idx.msk [tilespmem:v6+s2+$0x0], $0xffff;
	[tilespmem:s0+$0x20] =	vst v15  }
0x123: {  	v7 =	vld.idx.msk [tilespmem:v7+s2+$0x0], $0xffff;
	[tilespmem:s1+$0xFFFFFFA0] =	vst v13  }
0x124: {  	v8 =	vld.idx.msk [tilespmem:v8+s2+$0x0], $0xffff;
	[tilespmem:s1+$0x20] =	vst v10  }
0x125: {  	[tilespmem:s31+$0xFFFFFFB0] =	vst v4;
	v4 =	vld.idx.msk [tilespmem:v9+s2+$0x0], $0xffff  }
0x126: {  	[tilespmem:s31+$0x30] =	vst v5  }
0x127: {  	[tilespmem:s0+$0xFFFFFFB0] =	vst v6  }
0x128: {  	[tilespmem:s0+$0x30] =	vst v7  }
0x129: {  	[tilespmem:s1+$0xFFFFFFB0] =	vst v8  }
0x12a: {  	s5 =	simm.s32 $0x0;
	[tilespmem:s1+$0x30] =	vst v4  }
0x12b: {  	v4 =	vmov s5;
	[hbm4b:s10+s20] =	stream.strided.scatter [tilespmem:s24], [sflag:$0x5], $0x2000, s21, s20, $0x38;
	[tilespmem:$0x1C000] =	vst v63  }
0x12c: {  	s1 =	simm.s32 $0x8;
	v5 =	vshll.u32 v4, $0x3  }
0x12d: {  	v4 =	vand.u32 $0x70, v4;
	v5 =	vand.u32 $0xC00, v5;
	[tilespmem:s5], [sflag:$0x1] =	stream.linear.gather [hbm4b:s11+s5], $0x8000, $0x38;
	[tilespmem:$0x1C000] =	vst v63  }
0x12e: {  	v6 =	vor.u32 v4, v5;
	v4 =	vmov s1;
	_ =	swait.ge [sflag:s19], $0x8000  }
0x12f: {  	v5 =	vor.u32 v0, v6;
	v7 =	vshll.u32 v4, $0x3;
	[sflag:s19] =	ssyncset.done $0x0  }
0x130: {  	v4 =	vand.u32 $0x78, v4;
	v7 =	vand.u32 $0xC00, v7;
	[sflag:s19] =	ssyncadd.s32 $0xFFFF8000  }
0x131: {  	s4 =	simm.s32 $0x10;
	v7 =	vor.u32 v4, v7;
	_ =	swait.ge [sflag:s25], $0x2000  }
0x132: {  	v4 =	vmov s4;
	v8 =	vor.u32 v0, v7;
	[sflag:s25] =	ssyncset.done $0x0  }
0x133: {  	v9 =	vshll.u32 v4, $0x3;
	[sflag:s25] =	ssyncadd.s32 $0xFFFFE000  }
0x134: {  	s5 =	simm.s32 $0x18;
	v4 =	vand.u32 $0x70, v4;
	v9 =	vand.u32 $0xC00, v9;
	v5 =	vld.idx.msk [tilespmem:v5+s16+$0x0], $0xffff  }
0x135: {  	v10 =	vmov s5;
	v9 =	vor.u32 v4, v9;
	v4 =	vor.u32 v1, v6  }
0x136: {  	v12 =	vshll.u32 v10, $0x3;
	v11 =	vor.u32 v0, v9  }
0x137: {  	v10 =	vand.u32 $0x78, v10;
	v12 =	vand.u32 $0xC00, v12;
	v8 =	vld.idx.msk [tilespmem:v8+s16+$0x0], $0xffff  }
0x138: {  	s30 =	simm.s32 $0x18080;
	s1 =	simm.s32 $0x20;
	v10 =	vor.u32 v10, v12;
	v12 =	vor.u32 v1, v7  }
0x139: {  	v13 =	vor.u32 v0, v10;
	[tilespmem:s30+$0xFFFFFF80] =	vst v5;
	v5 =	vmov s1  }
0x13a: {  	v14 =	vld.idx.msk [tilespmem:v4+s16+$0x0], $0xffff;
	v4 =	vshll.u32 v5, $0x3  }
0x13b: {  	v15 =	vor.u32 v2, v6;
	s4 =	simm.s32 $0x28;
	v11 =	vld.idx.msk [tilespmem:v11+s16+$0x0], $0xffff;
	v5 =	vand.u32 $0x70, v5;
	v4 =	vand.u32 $0xC00, v4  }
0x13c: {  	v16 =	vor.u32 v1, v9;
	[tilespmem:s30+$0x0] =	vst v8;
	v4 =	vor.u32 v5, v4;
	v5 =	vmov s4  }
0x13d: {  	v12 =	vld.idx.msk [tilespmem:v12+s16+$0x0], $0xffff;
	v8 =	vor.u32 v0, v4;
	v17 =	vshll.u32 v5, $0x3  }
0x13e: {  	v18 =	vor.u32 v2, v7;
	v13 =	vld.idx.msk [tilespmem:v13+s16+$0x0], $0xffff;
	v5 =	vand.u32 $0x78, v5;
	v17 =	vand.u32 $0xC00, v17  }
0x13f: {  	s29 =	simm.s32 $0x18180;
	s5 =	simm.s32 $0x30;
	[tilespmem:s30+$0xFFFFFF90] =	vst v14;
	v5 =	vor.u32 v5, v17;
	v14 =	vor.u32 v1, v10  }
0x140: {  	[tilespmem:s29+$0xFFFFFF80] =	vst v11;
	v11 =	vld.idx.msk [tilespmem:v15+s16+$0x0], $0xffff;
	v15 =	vmov s5;
	v17 =	vor.u32 v0, v5  }
0x141: {  	v20 =	vor.u32 v3, v6;
	v16 =	vld.idx.msk [tilespmem:v16+s16+$0x0], $0xffff;
	v19 =	vshll.u32 v15, $0x3  }
0x142: {  	v6 =	vand.u32 $0x70, v15;
	[tilespmem:s30+$0x10] =	vst v12;
	v8 =	vld.idx.msk [tilespmem:v8+s16+$0x0], $0xffff;
	v15 =	vand.u32 $0xC00, v19;
	v19 =	vor.u32 v2, v9  }
0x143: {  	s1 =	simm.s32 $0x38;
	[tilespmem:s29+$0x0] =	vst v13;
	v12 =	vor.u32 v1, v4;
	v13 =	vld.idx.msk [tilespmem:v18+s16+$0x0], $0xffff;
	v6 =	vor.u32 v6, v15  }
0x144: {  	v18 =	vmov s1;
	v15 =	vor.u32 v0, v6;
	v14 =	vld.idx.msk [tilespmem:v14+s16+$0x0], $0xffff  }
0x145: {  	v21 =	vshll.u32 v18, $0x3;
	v17 =	vld.idx.msk [tilespmem:v17+s16+$0x0], $0xffff;
	[tilespmem:s30+$0xFFFFFFA0] =	vst v11;
	v11 =	vor.u32 v3, v7  }
0x146: {  	s31 =	simm.s32 $0x18280;
	[tilespmem:s29+$0xFFFFFF90] =	vst v16;
	v16 =	vor.u32 v2, v10;
	v7 =	vand.u32 $0x78, v18;
	v18 =	vand.u32 $0xC00, v21;
	v20 =	vld.idx.msk [tilespmem:v20+s16+$0x0], $0xffff  }
0x147: {  	s4 =	simm.s32 $0x40;
	v7 =	vor.u32 v7, v18;
	v18 =	vor.u32 v1, v5;
	[tilespmem:s31+$0xFFFFFF80] =	vst v8;
	v21 =	vld.idx.msk [tilespmem:v19+s16+$0x0], $0xffff  }
0x148: {  	v22 =	vor.u32 v0, v7;
	v8 =	vmov s4;
	v23 =	vld.idx.msk [tilespmem:v12+s16+$0x0], $0xffff  }
0x149: {  	v9 =	vor.u32 v3, v9;
	[tilespmem:s30+$0x20] =	vst v13;
	v12 =	vshll.u32 v8, $0x3;
	v24 =	vld.idx.msk [tilespmem:v15+s16+$0x0], $0xffff  }
0x14a: {  	v25 =	vor.u32 v2, v4;
	v8 =	vand.u32 $0x70, v8;
	[tilespmem:s29+$0x10] =	vst v14;
	v13 =	vld.idx.msk [tilespmem:v11+s16+$0x0], $0xffff;
	v11 =	vand.u32 $0xC00, v12  }
0x14b: {  	s5 =	simm.s32 $0x48;
	[tilespmem:s31+$0x0] =	vst v17;
	v14 =	vld.idx.msk [tilespmem:v16+s16+$0x0], $0xffff;
	v17 =	vor.u32 v1, v6;
	v8 =	vor.u32 v8, v11  }
0x14c: {  	v11 =	vmov s5;
	v15 =	vld.idx.msk [tilespmem:v18+s16+$0x0], $0xffff;
	[tilespmem:s30+$0xFFFFFFB0] =	vst v20;
	v19 =	vor.u32 v0, v8  }
0x14d: {  	v10 =	vor.u32 v3, v10;
	v16 =	vshll.u32 v11, $0x3;
	v12 =	vld.idx.msk [tilespmem:v22+s16+$0x0], $0xffff;
	[tilespmem:s29+$0xFFFFFFA0] =	vst v21  }
0x14e: {  	s0 =	simm.s32 $0x18380;
	v18 =	vand.u32 $0x78, v11;
	v11 =	vor.u32 v2, v5;
	v20 =	vand.u32 $0xC00, v16;
	[tilespmem:s31+$0xFFFFFF90] =	vst v23;
	v16 =	vld.idx.msk [tilespmem:v9+s16+$0x0], $0xffff  }
0x14f: {  	s1 =	simm.s32 $0x8;
	s4 =	simm.s32 $0x50;
	v9 =	vor.u32 v18, v20;
	[tilespmem:s0+$0xFFFFFF80] =	vst v24;
	v20 =	vor.u32 v1, v7;
	v18 =	vld.idx.msk [tilespmem:v25+s16+$0x0], $0xffff  }
.LBB2_10:
0x150: {  	v21 =	vmov s4;
	s1 =	sadd.s32 $0x2, s1;
	v22 =	vor.u32 v0, v9;
	v23 =	vld.idx.msk [tilespmem:v17+s16+$0x0], $0xffff;
	[tilespmem:s30+$0x30] =	vst v13;
	s30 =	smov.u32 s29;
	s29 =	smov.u32 s31  }
0x151: {  	v24 =	vor.u32 v3, v4;
	v4 =	vmovc v6;
	s31 =	smov.u32 s0;
	v17 =	vand.u32 $0x70, v21;
	v13 =	vshll.u32 v21, $0x3;
	p0 =	slt.u32 s1, $0x3E;
	v21 =	vld.idx.msk [tilespmem:v19+s16+$0x0], $0xffff;
	[tilespmem:s30+$0x20] =	vst v14  }
0x152: {  	v6 =	vmov v8;
	v25 =	vor.u32 v2, v4;
	v14 =	vand.u32 $0xC00, v13;
	[tilespmem:s29+$0x10] =	vst v15;
	v13 =	vld.idx.msk [tilespmem:v10+s16+$0x0], $0xffff  }
.Ltmp4:
0x153: {  	s5 =	sadd.s32 $0x8, s4;
	v8 =	vor.u32 v17, v14;
	v17 =	vor.u32 v1, v6;
	[tilespmem:s0+$0x0] =	vst v12;
	v14 =	vld.idx.msk [tilespmem:v11+s16+$0x0], $0xffff;
	(pc) =	sbr.rel @p0 .LBB2_10-.Ltmp4, $4  }
0x154: {  	v11 =	vmov s5;
	v19 =	vor.u32 v0, v8;
	v15 =	vld.idx.msk [tilespmem:v20+s16+$0x0], $0xffff;
	[tilespmem:s30+$0xFFFFFFB0] =	vst v16  }
0x155: {  	v10 =	vor.u32 v3, v5;
	v5 =	vmovc v7;
	v7 =	vmov v9;
	v16 =	vshll.u32 v11, $0x3;
	v12 =	vld.idx.msk [tilespmem:v22+s16+$0x0], $0xffff;
	[tilespmem:s29+$0xFFFFFFA0] =	vst v18  }
0x156: {  	s0 =	sadd.s32 $0x100, s0;
	v9 =	vand.u32 $0x78, v11;
	v11 =	vor.u32 v2, v5;
	v18 =	vand.u32 $0xC00, v16;
	[tilespmem:s31+$0xFFFFFF90] =	vst v23;
	v16 =	vld.idx.msk [tilespmem:v24+s16+$0x0], $0xffff  }
0x157: {  	s4 =	sadd.s32 $0x10, s4;
	v20 =	vor.u32 v1, v7;
	v9 =	vor.u32 v9, v18;
	[tilespmem:s0+$0xFFFFFF80] =	vst v21;
	v18 =	vld.idx.msk [tilespmem:v25+s16+$0x0], $0xffff  }
0x158: {  	v21 =	vor.u32 v0, v9;
	_ =	sdelay $0x3  }
0x159: {  	v19 =	vld.idx.msk [tilespmem:v19+s16+$0x0], $0xffff  }
0x15a: {  	[tilespmem:s30+$0x30] =	vst v13;
	v13 =	vor.u32 v1, v8;
	v21 =	vld.idx.msk [tilespmem:v21+s16+$0x0], $0xffff  }
0x15b: {  	[tilespmem:s29+$0x20] =	vst v14;
	v14 =	vor.u32 v1, v9  }
0x15c: {  	[tilespmem:s31+$0x10] =	vst v15  }
0x15d: {  	s1 =	sadd.s32 $0x100, s0;
	v15 =	vld.idx.msk [tilespmem:v17+s16+$0x0], $0xffff;
	[tilespmem:s0+$0x0] =	vst v12  }
0x15e: {  	v12 =	vor.u32 v2, v6;
	v17 =	vld.idx.msk [tilespmem:v20+s16+$0x0], $0xffff;
	[tilespmem:s1+$0xFFFFFF80] =	vst v19  }
0x15f: {  	v19 =	vor.u32 v2, v7;
	v13 =	vld.idx.msk [tilespmem:v13+s16+$0x0], $0xffff;
	[tilespmem:s1+$0x0] =	vst v21  }
0x160: {  	[tilespmem:s29+$0xFFFFFFB0] =	vst v16;
	v16 =	vor.u32 v2, v8;
	v14 =	vld.idx.msk [tilespmem:v14+s16+$0x0], $0xffff  }
0x161: {  	v10 =	vld.idx.msk [tilespmem:v10+s16+$0x0], $0xffff;
	[tilespmem:s31+$0xFFFFFFA0] =	vst v18;
	v18 =	vor.u32 v2, v9  }
0x162: {  	v4 =	vor.u32 v3, v4;
	v11 =	vld.idx.msk [tilespmem:v11+s16+$0x0], $0xffff;
	[tilespmem:s0+$0xFFFFFF90] =	vst v15  }
0x163: {  	v5 =	vor.u32 v3, v5;
	v12 =	vld.idx.msk [tilespmem:v12+s16+$0x0], $0xffff;
	[tilespmem:s0+$0x10] =	vst v17  }
0x164: {  	v6 =	vor.u32 v3, v6;
	v15 =	vld.idx.msk [tilespmem:v19+s16+$0x0], $0xffff;
	[tilespmem:s1+$0xFFFFFF90] =	vst v13  }
0x165: {  	v7 =	vor.u32 v3, v7;
	v13 =	vld.idx.msk [tilespmem:v16+s16+$0x0], $0xffff;
	[tilespmem:s1+$0x10] =	vst v14  }
0x166: {  	v8 =	vor.u32 v3, v8;
	[tilespmem:s29+$0x30] =	vst v10;
	v10 =	vld.idx.msk [tilespmem:v18+s16+$0x0], $0xffff  }
0x167: {  	v9 =	vor.u32 v3, v9;
	v4 =	vld.idx.msk [tilespmem:v4+s16+$0x0], $0xffff;
	[tilespmem:s31+$0x20] =	vst v11  }
0x168: {  	v5 =	vld.idx.msk [tilespmem:v5+s16+$0x0], $0xffff;
	[tilespmem:s0+$0xFFFFFFA0] =	vst v12  }
0x169: {  	v6 =	vld.idx.msk [tilespmem:v6+s16+$0x0], $0xffff;
	[tilespmem:s0+$0x20] =	vst v15  }
0x16a: {  	v7 =	vld.idx.msk [tilespmem:v7+s16+$0x0], $0xffff;
	[tilespmem:s1+$0xFFFFFFA0] =	vst v13  }
0x16b: {  	v8 =	vld.idx.msk [tilespmem:v8+s16+$0x0], $0xffff;
	[tilespmem:s1+$0x20] =	vst v10  }
0x16c: {  	s4 =	simm.s32 $0x0;
	[tilespmem:s31+$0xFFFFFFB0] =	vst v4;
	v4 =	vld.idx.msk [tilespmem:v9+s16+$0x0], $0xffff  }
0x16d: {  	[tilespmem:s31+$0x30] =	vst v5;
	v5 =	vmov s4  }
0x16e: {  	[tilespmem:s0+$0xFFFFFFB0] =	vst v6;
	v6 =	vshll.u32 v5, $0x3  }
0x16f: {  	s5 =	simm.s32 $0x8;
	v5 =	vand.u32 $0x70, v5;
	v6 =	vand.u32 $0xC00, v6;
	[tilespmem:s0+$0x30] =	vst v7  }
0x170: {  	v6 =	vor.u32 v5, v6;
	v5 =	vmov s5;
	[tilespmem:s1+$0xFFFFFFB0] =	vst v8  }
0x171: {  	v7 =	vshll.u32 v5, $0x3;
	[tilespmem:s1+$0x30] =	vst v4;
	v4 =	vor.u32 v0, v6  }
0x172: {  	v5 =	vand.u32 $0x78, v5;
	v7 =	vand.u32 $0xC00, v7;
	[tilespmem:s16], [sflag:$0x2] =	stream.linear.gather [hbm4b:s12+s4], $0x8000, $0x38;
	[tilespmem:$0x1C000] =	vst v63  }
0x173: {  	v7 =	vor.u32 v5, v7;
	s4 =	simm.s32 $0x10;
	_ =	swait.ge [sflag:s23], $0x8000  }
0x174: {  	v8 =	vor.u32 v0, v7;
	v5 =	vmov s4;
	[sflag:s23] =	ssyncset.done $0x0  }
0x175: {  	v9 =	vshll.u32 v5, $0x3;
	[sflag:s23] =	ssyncadd.s32 $0xFFFF8000  }
0x176: {  	s5 =	simm.s32 $0x18;
	v5 =	vand.u32 $0x70, v5;
	v9 =	vand.u32 $0xC00, v9;
	v4 =	vld.idx.msk [tilespmem:v4+s17+$0x0], $0xffff  }
0x177: {  	v10 =	vmov s5;
	v9 =	vor.u32 v5, v9;
	v5 =	vor.u32 v1, v6  }
0x178: {  	v12 =	vshll.u32 v10, $0x3;
	v11 =	vor.u32 v0, v9  }
0x179: {  	v10 =	vand.u32 $0x78, v10;
	v12 =	vand.u32 $0xC00, v12;
	v8 =	vld.idx.msk [tilespmem:v8+s17+$0x0], $0xffff  }
0x17a: {  	s30 =	simm.s32 $0x180C0;
	v10 =	vor.u32 v10, v12;
	v12 =	vor.u32 v1, v7;
	s1 =	simm.s32 $0x20  }
0x17b: {  	v13 =	vor.u32 v0, v10;
	[tilespmem:s30+$0xFFFFFF80] =	vst v4;
	v4 =	vmov s1  }
0x17c: {  	v5 =	vld.idx.msk [tilespmem:v5+s17+$0x0], $0xffff;
	v14 =	vshll.u32 v4, $0x3  }
0x17d: {  	v15 =	vor.u32 v2, v6;
	s4 =	simm.s32 $0x28;
	v4 =	vand.u32 $0x70, v4;
	v11 =	vld.idx.msk [tilespmem:v11+s17+$0x0], $0xffff;
	v14 =	vand.u32 $0xC00, v14  }
0x17e: {  	[tilespmem:s30+$0x0] =	vst v8;
	v8 =	vmov s4;
	v4 =	vor.u32 v4, v14;
	v14 =	vor.u32 v1, v9  }
0x17f: {  	v12 =	vld.idx.msk [tilespmem:v12+s17+$0x0], $0xffff;
	v17 =	vshll.u32 v8, $0x3;
	v16 =	vor.u32 v0, v4  }
0x180: {  	v18 =	vor.u32 v2, v7;
	v13 =	vld.idx.msk [tilespmem:v13+s17+$0x0], $0xffff;
	v8 =	vand.u32 $0x78, v8;
	v17 =	vand.u32 $0xC00, v17  }
0x181: {  	s29 =	simm.s32 $0x181C0;
	s5 =	simm.s32 $0x30;
	[tilespmem:s30+$0xFFFFFF90] =	vst v5;
	v5 =	vor.u32 v8, v17;
	v8 =	vor.u32 v1, v10  }
0x182: {  	[tilespmem:s29+$0xFFFFFF80] =	vst v11;
	v11 =	vld.idx.msk [tilespmem:v15+s17+$0x0], $0xffff;
	v15 =	vmov s5;
	v17 =	vor.u32 v0, v5  }
0x183: {  	v20 =	vor.u32 v3, v6;
	v14 =	vld.idx.msk [tilespmem:v14+s17+$0x0], $0xffff;
	v19 =	vshll.u32 v15, $0x3  }
0x184: {  	[tilespmem:s30+$0x10] =	vst v12;
	v6 =	vand.u32 $0x70, v15;
	v15 =	vld.idx.msk [tilespmem:v16+s17+$0x0], $0xffff;
	v16 =	vand.u32 $0xC00, v19;
	v19 =	vor.u32 v2, v9  }
0x185: {  	s1 =	simm.s32 $0x38;
	[tilespmem:s29+$0x0] =	vst v13;
	v12 =	vor.u32 v1, v4;
	v13 =	vld.idx.msk [tilespmem:v18+s17+$0x0], $0xffff;
	v6 =	vor.u32 v6, v16  }
0x186: {  	v18 =	vmov s1;
	v16 =	vor.u32 v0, v6;
	v8 =	vld.idx.msk [tilespmem:v8+s17+$0x0], $0xffff  }
0x187: {  	v21 =	vshll.u32 v18, $0x3;
	v17 =	vld.idx.msk [tilespmem:v17+s17+$0x0], $0xffff;
	[tilespmem:s30+$0xFFFFFFA0] =	vst v11;
	v11 =	vor.u32 v3, v7  }
0x188: {  	s31 =	simm.s32 $0x182C0;
	v7 =	vand.u32 $0x78, v18;
	v18 =	vand.u32 $0xC00, v21;
	[tilespmem:s29+$0xFFFFFF90] =	vst v14;
	v14 =	vor.u32 v2, v10;
	v20 =	vld.idx.msk [tilespmem:v20+s17+$0x0], $0xffff  }
0x189: {  	s4 =	simm.s32 $0x40;
	v7 =	vor.u32 v7, v18;
	[tilespmem:s31+$0xFFFFFF80] =	vst v15;
	v15 =	vor.u32 v1, v5;
	v18 =	vld.idx.msk [tilespmem:v19+s17+$0x0], $0xffff  }
0x18a: {  	v21 =	vor.u32 v0, v7;
	v22 =	vld.idx.msk [tilespmem:v12+s17+$0x0], $0xffff;
	v12 =	vmov s4  }
0x18b: {  	v9 =	vor.u32 v3, v9;
	[tilespmem:s30+$0x20] =	vst v13;
	v23 =	vld.idx.msk [tilespmem:v16+s17+$0x0], $0xffff;
	v16 =	vshll.u32 v12, $0x3  }
0x18c: {  	v24 =	vor.u32 v2, v4;
	[tilespmem:s29+$0x10] =	vst v8;
	v8 =	vand.u32 $0x70, v12;
	v13 =	vld.idx.msk [tilespmem:v11+s17+$0x0], $0xffff;
	v11 =	vand.u32 $0xC00, v16  }
0x18d: {  	s5 =	simm.s32 $0x48;
	[tilespmem:s31+$0x0] =	vst v17;
	v17 =	vor.u32 v1, v6;
	v14 =	vld.idx.msk [tilespmem:v14+s17+$0x0], $0xffff;
	v8 =	vor.u32 v8, v11  }
0x18e: {  	v11 =	vmov s5;
	[tilespmem:s30+$0xFFFFFFB0] =	vst v20;
	v15 =	vld.idx.msk [tilespmem:v15+s17+$0x0], $0xffff;
	v19 =	vor.u32 v0, v8  }
0x18f: {  	v10 =	vor.u32 v3, v10;
	v16 =	vshll.u32 v11, $0x3;
	v12 =	vld.idx.msk [tilespmem:v21+s17+$0x0], $0xffff;
	[tilespmem:s29+$0xFFFFFFA0] =	vst v18  }
0x190: {  	s0 =	simm.s32 $0x183C0;
	v18 =	vand.u32 $0x78, v11;
	v11 =	vor.u32 v2, v5;
	v20 =	vand.u32 $0xC00, v16;
	[tilespmem:s31+$0xFFFFFF90] =	vst v22;
	v16 =	vld.idx.msk [tilespmem:v9+s17+$0x0], $0xffff  }
0x191: {  	s1 =	simm.s32 $0x8;
	s4 =	simm.s32 $0x50;
	v9 =	vor.u32 v18, v20;
	[tilespmem:s0+$0xFFFFFF80] =	vst v23;
	v20 =	vor.u32 v1, v7;
	v18 =	vld.idx.msk [tilespmem:v24+s17+$0x0], $0xffff  }
.LBB2_12:
0x192: {  	v21 =	vmov s4;
	s1 =	sadd.s32 $0x2, s1;
	v22 =	vor.u32 v0, v9;
	v23 =	vld.idx.msk [tilespmem:v17+s17+$0x0], $0xffff;
	[tilespmem:s30+$0x30] =	vst v13;
	s30 =	smov.u32 s29;
	s29 =	smov.u32 s31  }
0x193: {  	v24 =	vor.u32 v3, v4;
	v4 =	vmovc v6;
	s31 =	smov.u32 s0;
	v17 =	vand.u32 $0x70, v21;
	v13 =	vshll.u32 v21, $0x3;
	p0 =	slt.u32 s1, $0x3E;
	v21 =	vld.idx.msk [tilespmem:v19+s17+$0x0], $0xffff;
	[tilespmem:s30+$0x20] =	vst v14  }
0x194: {  	v6 =	vmov v8;
	v25 =	vor.u32 v2, v4;
	v14 =	vand.u32 $0xC00, v13;
	[tilespmem:s29+$0x10] =	vst v15;
	v13 =	vld.idx.msk [tilespmem:v10+s17+$0x0], $0xffff  }
.Ltmp5:
0x195: {  	s5 =	sadd.s32 $0x8, s4;
	v8 =	vor.u32 v17, v14;
	v17 =	vor.u32 v1, v6;
	[tilespmem:s0+$0x0] =	vst v12;
	v14 =	vld.idx.msk [tilespmem:v11+s17+$0x0], $0xffff;
	(pc) =	sbr.rel @p0 .LBB2_12-.Ltmp5, $4  }
0x196: {  	v11 =	vmov s5;
	v19 =	vor.u32 v0, v8;
	v15 =	vld.idx.msk [tilespmem:v20+s17+$0x0], $0xffff;
	[tilespmem:s30+$0xFFFFFFB0] =	vst v16  }
0x197: {  	v10 =	vor.u32 v3, v5;
	v5 =	vmovc v7;
	v7 =	vmov v9;
	v16 =	vshll.u32 v11, $0x3;
	v12 =	vld.idx.msk [tilespmem:v22+s17+$0x0], $0xffff;
	[tilespmem:s29+$0xFFFFFFA0] =	vst v18  }
0x198: {  	s0 =	sadd.s32 $0x100, s0;
	v9 =	vand.u32 $0x78, v11;
	v11 =	vor.u32 v2, v5;
	v18 =	vand.u32 $0xC00, v16;
	[tilespmem:s31+$0xFFFFFF90] =	vst v23;
	v16 =	vld.idx.msk [tilespmem:v24+s17+$0x0], $0xffff  }
0x199: {  	s4 =	sadd.s32 $0x10, s4;
	v20 =	vor.u32 v1, v7;
	v9 =	vor.u32 v9, v18;
	[tilespmem:s0+$0xFFFFFF80] =	vst v21;
	v18 =	vld.idx.msk [tilespmem:v25+s17+$0x0], $0xffff  }
0x19a: {  	v21 =	vor.u32 v0, v9;
	_ =	sdelay $0x4  }
0x19b: {  	[tilespmem:s30+$0x30] =	vst v13;
	v21 =	vld.idx.msk [tilespmem:v21+s17+$0x0], $0xffff  }
0x19c: {  	v19 =	vld.idx.msk [tilespmem:v19+s17+$0x0], $0xffff;
	[tilespmem:s29+$0x20] =	vst v14;
	v14 =	vor.u32 v1, v9  }
0x19d: {  	v13 =	vor.u32 v1, v8;
	[tilespmem:s31+$0x10] =	vst v15  }
0x19e: {  	v15 =	vld.idx.msk [tilespmem:v17+s17+$0x0], $0xffff;
	[tilespmem:s0+$0x0] =	vst v12  }
0x19f: {  	s1 =	sadd.s32 $0x100, s0;
	v4 =	vor.u32 v3, v4;
	v10 =	vld.idx.msk [tilespmem:v10+s17+$0x0], $0xffff;
	[tilespmem:s29+$0xFFFFFFB0] =	vst v16  }
0x1a0: {  	v12 =	vor.u32 v2, v6;
	v17 =	vld.idx.msk [tilespmem:v20+s17+$0x0], $0xffff;
	[tilespmem:s1+$0x0] =	vst v21  }
0x1a1: {  	[tilespmem:s1+$0xFFFFFF80] =	vst v19;
	v19 =	vor.u32 v2, v7;
	v14 =	vld.idx.msk [tilespmem:v14+s17+$0x0], $0xffff  }
0x1a2: {  	[tilespmem:s31+$0xFFFFFFA0] =	vst v18;
	v18 =	vor.u32 v2, v9;
	v13 =	vld.idx.msk [tilespmem:v13+s17+$0x0], $0xffff  }
0x1a3: {  	v11 =	vld.idx.msk [tilespmem:v11+s17+$0x0], $0xffff;
	v16 =	vor.u32 v2, v8;
	[tilespmem:s0+$0xFFFFFF90] =	vst v15  }
0x1a4: {  	v4 =	vld.idx.msk [tilespmem:v4+s17+$0x0], $0xffff;
	[tilespmem:s29+$0x30] =	vst v10  }
0x1a5: {  	v5 =	vor.u32 v3, v5;
	v12 =	vld.idx.msk [tilespmem:v12+s17+$0x0], $0xffff;
	[tilespmem:s0+$0x10] =	vst v17  }
0x1a6: {  	v6 =	vor.u32 v3, v6;
	v15 =	vld.idx.msk [tilespmem:v19+s17+$0x0], $0xffff;
	[tilespmem:s1+$0x10] =	vst v14  }
0x1a7: {  	v7 =	vor.u32 v3, v7;
	[tilespmem:s1+$0xFFFFFF90] =	vst v13;
	v10 =	vld.idx.msk [tilespmem:v18+s17+$0x0], $0xffff  }
0x1a8: {  	v9 =	vor.u32 v3, v9;
	[tilespmem:s31+$0x20] =	vst v11;
	v13 =	vld.idx.msk [tilespmem:v16+s17+$0x0], $0xffff  }
0x1a9: {  	v8 =	vor.u32 v3, v8;
	[tilespmem:s31+$0xFFFFFFB0] =	vst v4  }
0x1aa: {  	v5 =	vld.idx.msk [tilespmem:v5+s17+$0x0], $0xffff;
	[tilespmem:s0+$0xFFFFFFA0] =	vst v12  }
0x1ab: {  	v6 =	vld.idx.msk [tilespmem:v6+s17+$0x0], $0xffff;
	[tilespmem:s0+$0x20] =	vst v15  }
0x1ac: {  	v7 =	vld.idx.msk [tilespmem:v7+s17+$0x0], $0xffff;
	[tilespmem:s1+$0x20] =	vst v10  }
0x1ad: {  	[tilespmem:s1+$0xFFFFFFA0] =	vst v13;
	v4 =	vld.idx.msk [tilespmem:v9+s17+$0x0], $0xffff  }
0x1ae: {  	v8 =	vld.idx.msk [tilespmem:v8+s17+$0x0], $0xffff  }
0x1af: {  	[tilespmem:s31+$0x30] =	vst v5  }
0x1b0: {  	[tilespmem:s0+$0xFFFFFFB0] =	vst v6  }
0x1b1: {  	s5 =	simm.s32 $0x0;
	[tilespmem:s0+$0x30] =	vst v7  }
0x1b2: {  	[tilespmem:s1+$0x30] =	vst v4;
	v4 =	vmov s5  }
0x1b3: {  	[tilespmem:s1+$0xFFFFFFB0] =	vst v8;
	s1 =	simm.s32 $0x8;
	v5 =	vshll.u32 v4, $0x3  }
0x1b4: {  	[hbm4b:s13+s20] =	stream.strided.scatter [tilespmem:s22], [sflag:$0x4], $0x2000, s21, s20, $0x38;
	v4 =	vand.u32 $0x70, v4;
	v5 =	vand.u32 $0xC00, v5;
	[tilespmem:$0x1C000] =	vst v63  }
0x1b5: {  	_ =	swait.ge [sflag:s18], $0x8000;
	v6 =	vor.u32 v4, v5;
	v4 =	vmov s1  }
0x1b6: {  	[sflag:s18] =	ssyncset.done $0x0;
	v5 =	vor.u32 v0, v6;
	v7 =	vshll.u32 v4, $0x3  }
0x1b7: {  	[sflag:s18] =	ssyncadd.s32 $0xFFFF8000;
	v4 =	vand.u32 $0x78, v4;
	v7 =	vand.u32 $0xC00, v7  }
0x1b8: {  	s4 =	simm.s32 $0x10;
	_ =	swait.ge [sflag:s26], $0x2000;
	v7 =	vor.u32 v4, v7  }
0x1b9: {  	[sflag:s26] =	ssyncset.done $0x0;
	v4 =	vmov s4;
	v8 =	vor.u32 v0, v7  }
0x1ba: {  	[sflag:s26] =	ssyncadd.s32 $0xFFFFE000;
	v9 =	vshll.u32 v4, $0x3  }
0x1bb: {  	s5 =	simm.s32 $0x18;
	v4 =	vand.u32 $0x70, v4;
	v9 =	vand.u32 $0xC00, v9;
	v5 =	vld.idx.msk [tilespmem:v5+s2+$0x0], $0xffff  }
0x1bc: {  	v10 =	vmov s5;
	v9 =	vor.u32 v4, v9;
	v4 =	vor.u32 v1, v6  }
0x1bd: {  	v12 =	vshll.u32 v10, $0x3;
	v11 =	vor.u32 v0, v9  }
0x1be: {  	v10 =	vand.u32 $0x78, v10;
	v12 =	vand.u32 $0xC00, v12;
	v8 =	vld.idx.msk [tilespmem:v8+s2+$0x0], $0xffff  }
0x1bf: {  	s30 =	simm.s32 $0x1A080;
	s1 =	simm.s32 $0x20;
	v10 =	vor.u32 v10, v12;
	v12 =	vor.u32 v1, v7  }
0x1c0: {  	v13 =	vor.u32 v0, v10;
	[tilespmem:s30+$0xFFFFFF80] =	vst v5;
	v5 =	vmov s1  }
0x1c1: {  	v14 =	vld.idx.msk [tilespmem:v4+s2+$0x0], $0xffff;
	v4 =	vshll.u32 v5, $0x3  }
0x1c2: {  	v15 =	vor.u32 v2, v6;
	s4 =	simm.s32 $0x28;
	v5 =	vand.u32 $0x70, v5;
	v11 =	vld.idx.msk [tilespmem:v11+s2+$0x0], $0xffff;
	v4 =	vand.u32 $0xC00, v4  }
0x1c3: {  	v16 =	vor.u32 v1, v9;
	v4 =	vor.u32 v5, v4;
	[tilespmem:s30+$0x0] =	vst v8;
	v5 =	vmov s4  }
0x1c4: {  	v8 =	vor.u32 v0, v4;
	v12 =	vld.idx.msk [tilespmem:v12+s2+$0x0], $0xffff;
	v17 =	vshll.u32 v5, $0x3  }
0x1c5: {  	v18 =	vor.u32 v2, v7;
	v13 =	vld.idx.msk [tilespmem:v13+s2+$0x0], $0xffff;
	v5 =	vand.u32 $0x78, v5;
	v17 =	vand.u32 $0xC00, v17  }
0x1c6: {  	s29 =	simm.s32 $0x1A180;
	s5 =	simm.s32 $0x30;
	[tilespmem:s30+$0xFFFFFF90] =	vst v14;
	v5 =	vor.u32 v5, v17;
	v14 =	vor.u32 v1, v10  }
0x1c7: {  	[tilespmem:s29+$0xFFFFFF80] =	vst v11;
	v11 =	vld.idx.msk [tilespmem:v15+s2+$0x0], $0xffff;
	v15 =	vmov s5;
	v17 =	vor.u32 v0, v5  }
0x1c8: {  	v20 =	vor.u32 v3, v6;
	v16 =	vld.idx.msk [tilespmem:v16+s2+$0x0], $0xffff;
	v19 =	vshll.u32 v15, $0x3  }
0x1c9: {  	v6 =	vand.u32 $0x70, v15;
	v8 =	vld.idx.msk [tilespmem:v8+s2+$0x0], $0xffff;
	v15 =	vand.u32 $0xC00, v19;
	v19 =	vor.u32 v2, v9;
	[tilespmem:s30+$0x10] =	vst v12  }
0x1ca: {  	s1 =	simm.s32 $0x38;
	[tilespmem:s29+$0x0] =	vst v13;
	v12 =	vor.u32 v1, v4;
	v6 =	vor.u32 v6, v15;
	v13 =	vld.idx.msk [tilespmem:v18+s2+$0x0], $0xffff  }
0x1cb: {  	v18 =	vmov s1;
	v15 =	vor.u32 v0, v6;
	v14 =	vld.idx.msk [tilespmem:v14+s2+$0x0], $0xffff  }
0x1cc: {  	v21 =	vshll.u32 v18, $0x3;
	v17 =	vld.idx.msk [tilespmem:v17+s2+$0x0], $0xffff;
	[tilespmem:s30+$0xFFFFFFA0] =	vst v11;
	v11 =	vor.u32 v3, v7  }
0x1cd: {  	s31 =	simm.s32 $0x1A280;
	v7 =	vand.u32 $0x78, v18;
	v18 =	vand.u32 $0xC00, v21;
	[tilespmem:s29+$0xFFFFFF90] =	vst v16;
	v16 =	vor.u32 v2, v10;
	v20 =	vld.idx.msk [tilespmem:v20+s2+$0x0], $0xffff  }
0x1ce: {  	s4 =	simm.s32 $0x40;
	v7 =	vor.u32 v7, v18;
	v18 =	vor.u32 v1, v5;
	[tilespmem:s31+$0xFFFFFF80] =	vst v8;
	v21 =	vld.idx.msk [tilespmem:v19+s2+$0x0], $0xffff  }
0x1cf: {  	v22 =	vor.u32 v0, v7;
	v8 =	vmov s4;
	v23 =	vld.idx.msk [tilespmem:v12+s2+$0x0], $0xffff  }
0x1d0: {  	v9 =	vor.u32 v3, v9;
	[tilespmem:s30+$0x20] =	vst v13;
	v12 =	vshll.u32 v8, $0x3;
	v24 =	vld.idx.msk [tilespmem:v15+s2+$0x0], $0xffff  }
0x1d1: {  	v25 =	vor.u32 v2, v4;
	v8 =	vand.u32 $0x70, v8;
	[tilespmem:s29+$0x10] =	vst v14;
	v13 =	vld.idx.msk [tilespmem:v11+s2+$0x0], $0xffff;
	v11 =	vand.u32 $0xC00, v12  }
0x1d2: {  	s5 =	simm.s32 $0x48;
	[tilespmem:s31+$0x0] =	vst v17;
	v14 =	vld.idx.msk [tilespmem:v16+s2+$0x0], $0xffff;
	v17 =	vor.u32 v1, v6;
	v8 =	vor.u32 v8, v11  }
0x1d3: {  	v11 =	vmov s5;
	v15 =	vld.idx.msk [tilespmem:v18+s2+$0x0], $0xffff;
	[tilespmem:s30+$0xFFFFFFB0] =	vst v20;
	v19 =	vor.u32 v0, v8  }
0x1d4: {  	v10 =	vor.u32 v3, v10;
	v16 =	vshll.u32 v11, $0x3;
	v12 =	vld.idx.msk [tilespmem:v22+s2+$0x0], $0xffff;
	[tilespmem:s29+$0xFFFFFFA0] =	vst v21  }
0x1d5: {  	s0 =	simm.s32 $0x1A380;
	v18 =	vand.u32 $0x78, v11;
	v11 =	vor.u32 v2, v5;
	v20 =	vand.u32 $0xC00, v16;
	[tilespmem:s31+$0xFFFFFF90] =	vst v23;
	v16 =	vld.idx.msk [tilespmem:v9+s2+$0x0], $0xffff  }
0x1d6: {  	s1 =	simm.s32 $0x8;
	s4 =	simm.s32 $0x50;
	v9 =	vor.u32 v18, v20;
	[tilespmem:s0+$0xFFFFFF80] =	vst v24;
	v20 =	vor.u32 v1, v7;
	v18 =	vld.idx.msk [tilespmem:v25+s2+$0x0], $0xffff  }
.LBB2_14:
0x1d7: {  	v21 =	vmov s4;
	s1 =	sadd.s32 $0x2, s1;
	v22 =	vor.u32 v0, v9;
	v23 =	vld.idx.msk [tilespmem:v17+s2+$0x0], $0xffff;
	[tilespmem:s30+$0x30] =	vst v13;
	s30 =	smov.u32 s29;
	s29 =	smov.u32 s31  }
0x1d8: {  	v24 =	vor.u32 v3, v4;
	v4 =	vmovc v6;
	s31 =	smov.u32 s0;
	v17 =	vand.u32 $0x70, v21;
	v13 =	vshll.u32 v21, $0x3;
	p0 =	slt.u32 s1, $0x3E;
	v21 =	vld.idx.msk [tilespmem:v19+s2+$0x0], $0xffff;
	[tilespmem:s30+$0x20] =	vst v14  }
0x1d9: {  	v6 =	vmov v8;
	v25 =	vor.u32 v2, v4;
	v14 =	vand.u32 $0xC00, v13;
	[tilespmem:s29+$0x10] =	vst v15;
	v13 =	vld.idx.msk [tilespmem:v10+s2+$0x0], $0xffff  }
.Ltmp6:
0x1da: {  	s5 =	sadd.s32 $0x8, s4;
	v8 =	vor.u32 v17, v14;
	v17 =	vor.u32 v1, v6;
	[tilespmem:s0+$0x0] =	vst v12;
	v14 =	vld.idx.msk [tilespmem:v11+s2+$0x0], $0xffff;
	(pc) =	sbr.rel @p0 .LBB2_14-.Ltmp6, $4  }
0x1db: {  	v11 =	vmov s5;
	v19 =	vor.u32 v0, v8;
	v15 =	vld.idx.msk [tilespmem:v20+s2+$0x0], $0xffff;
	[tilespmem:s30+$0xFFFFFFB0] =	vst v16  }
0x1dc: {  	v10 =	vor.u32 v3, v5;
	v5 =	vmovc v7;
	v7 =	vmov v9;
	v16 =	vshll.u32 v11, $0x3;
	v12 =	vld.idx.msk [tilespmem:v22+s2+$0x0], $0xffff;
	[tilespmem:s29+$0xFFFFFFA0] =	vst v18  }
0x1dd: {  	s0 =	sadd.s32 $0x100, s0;
	v9 =	vand.u32 $0x78, v11;
	v11 =	vor.u32 v2, v5;
	v18 =	vand.u32 $0xC00, v16;
	[tilespmem:s31+$0xFFFFFF90] =	vst v23;
	v16 =	vld.idx.msk [tilespmem:v24+s2+$0x0], $0xffff  }
0x1de: {  	s4 =	sadd.s32 $0x10, s4;
	v20 =	vor.u32 v1, v7;
	v9 =	vor.u32 v9, v18;
	[tilespmem:s0+$0xFFFFFF80] =	vst v21;
	v18 =	vld.idx.msk [tilespmem:v25+s2+$0x0], $0xffff  }
0x1df: {  	v21 =	vor.u32 v0, v9;
	_ =	sdelay $0x3  }
0x1e0: {  	v19 =	vld.idx.msk [tilespmem:v19+s2+$0x0], $0xffff  }
0x1e1: {  	[tilespmem:s30+$0x30] =	vst v13;
	v13 =	vor.u32 v1, v8;
	v21 =	vld.idx.msk [tilespmem:v21+s2+$0x0], $0xffff  }
0x1e2: {  	[tilespmem:s29+$0x20] =	vst v14;
	v14 =	vor.u32 v1, v9  }
0x1e3: {  	[tilespmem:s31+$0x10] =	vst v15  }
0x1e4: {  	s1 =	sadd.s32 $0x100, s0;
	v15 =	vld.idx.msk [tilespmem:v17+s2+$0x0], $0xffff;
	[tilespmem:s0+$0x0] =	vst v12  }
0x1e5: {  	v12 =	vor.u32 v2, v6;
	v17 =	vld.idx.msk [tilespmem:v20+s2+$0x0], $0xffff;
	[tilespmem:s1+$0xFFFFFF80] =	vst v19  }
0x1e6: {  	v19 =	vor.u32 v2, v7;
	v13 =	vld.idx.msk [tilespmem:v13+s2+$0x0], $0xffff;
	[tilespmem:s1+$0x0] =	vst v21  }
0x1e7: {  	[tilespmem:s29+$0xFFFFFFB0] =	vst v16;
	v16 =	vor.u32 v2, v8;
	v14 =	vld.idx.msk [tilespmem:v14+s2+$0x0], $0xffff  }
0x1e8: {  	v10 =	vld.idx.msk [tilespmem:v10+s2+$0x0], $0xffff;
	[tilespmem:s31+$0xFFFFFFA0] =	vst v18;
	v18 =	vor.u32 v2, v9  }
0x1e9: {  	v4 =	vor.u32 v3, v4;
	v11 =	vld.idx.msk [tilespmem:v11+s2+$0x0], $0xffff;
	[tilespmem:s0+$0xFFFFFF90] =	vst v15  }
0x1ea: {  	v5 =	vor.u32 v3, v5;
	v12 =	vld.idx.msk [tilespmem:v12+s2+$0x0], $0xffff;
	[tilespmem:s0+$0x10] =	vst v17  }
0x1eb: {  	v6 =	vor.u32 v3, v6;
	v15 =	vld.idx.msk [tilespmem:v19+s2+$0x0], $0xffff;
	[tilespmem:s1+$0xFFFFFF90] =	vst v13  }
0x1ec: {  	v7 =	vor.u32 v3, v7;
	v13 =	vld.idx.msk [tilespmem:v16+s2+$0x0], $0xffff;
	[tilespmem:s1+$0x10] =	vst v14  }
0x1ed: {  	v8 =	vor.u32 v3, v8;
	[tilespmem:s29+$0x30] =	vst v10;
	v10 =	vld.idx.msk [tilespmem:v18+s2+$0x0], $0xffff  }
0x1ee: {  	v9 =	vor.u32 v3, v9;
	v4 =	vld.idx.msk [tilespmem:v4+s2+$0x0], $0xffff;
	[tilespmem:s31+$0x20] =	vst v11  }
0x1ef: {  	v5 =	vld.idx.msk [tilespmem:v5+s2+$0x0], $0xffff;
	[tilespmem:s0+$0xFFFFFFA0] =	vst v12  }
0x1f0: {  	v6 =	vld.idx.msk [tilespmem:v6+s2+$0x0], $0xffff;
	[tilespmem:s0+$0x20] =	vst v15  }
0x1f1: {  	v7 =	vld.idx.msk [tilespmem:v7+s2+$0x0], $0xffff;
	[tilespmem:s1+$0xFFFFFFA0] =	vst v13  }
0x1f2: {  	s4 =	simm.s32 $0x0;
	v8 =	vld.idx.msk [tilespmem:v8+s2+$0x0], $0xffff;
	[tilespmem:s1+$0x20] =	vst v10  }
0x1f3: {  	[tilespmem:s31+$0xFFFFFFB0] =	vst v4;
	v4 =	vld.idx.msk [tilespmem:v9+s2+$0x0], $0xffff;
	v9 =	vmov s4  }
0x1f4: {  	[tilespmem:s31+$0x30] =	vst v5;
	v5 =	vshll.u32 v9, $0x3  }
0x1f5: {  	s5 =	simm.s32 $0x8;
	[tilespmem:s0+$0xFFFFFFB0] =	vst v6;
	v6 =	vand.u32 $0x70, v9;
	v5 =	vand.u32 $0xC00, v5  }
0x1f6: {  	[tilespmem:s0+$0x30] =	vst v7;
	v6 =	vor.u32 v6, v5;
	v5 =	vmov s5  }
0x1f7: {  	[tilespmem:s1+$0xFFFFFFB0] =	vst v8;
	v7 =	vor.u32 v0, v6;
	v8 =	vshll.u32 v5, $0x3  }
0x1f8: {  	[tilespmem:s1+$0x30] =	vst v4;
	v4 =	vand.u32 $0x78, v5;
	v5 =	vand.u32 $0xC00, v8  }
0x1f9: {  	s4 =	simm.s32 $0x10;
	_ =	swait.ge [sflag:s19], $0x8000;
	v8 =	vor.u32 v4, v5  }
0x1fa: {  	v4 =	vmov s4;
	[sflag:s19] =	ssyncset.done $0x0;
	v5 =	vor.u32 v0, v8  }
0x1fb: {  	v9 =	vshll.u32 v4, $0x3;
	[sflag:s19] =	ssyncadd.s32 $0xFFFF8000  }
0x1fc: {  	s5 =	simm.s32 $0x18;
	v4 =	vand.u32 $0x70, v4;
	v9 =	vand.u32 $0xC00, v9;
	v7 =	vld.idx.msk [tilespmem:v7+s16+$0x0], $0xffff  }
0x1fd: {  	v10 =	vmov s5;
	v9 =	vor.u32 v4, v9;
	v4 =	vor.u32 v1, v6  }
0x1fe: {  	v12 =	vshll.u32 v10, $0x3;
	v11 =	vor.u32 v0, v9  }
0x1ff: {  	v10 =	vand.u32 $0x78, v10;
	v12 =	vand.u32 $0xC00, v12;
	v5 =	vld.idx.msk [tilespmem:v5+s16+$0x0], $0xffff  }
0x200: {  	s30 =	simm.s32 $0x1A0C0;
	s1 =	simm.s32 $0x20;
	v10 =	vor.u32 v10, v12;
	v12 =	vor.u32 v1, v8  }
0x201: {  	v13 =	vor.u32 v0, v10;
	[tilespmem:s30+$0xFFFFFF80] =	vst v7;
	v7 =	vmov s1  }
0x202: {  	v14 =	vld.idx.msk [tilespmem:v4+s16+$0x0], $0xffff;
	v4 =	vshll.u32 v7, $0x3  }
0x203: {  	v15 =	vor.u32 v2, v6;
	s4 =	simm.s32 $0x28;
	v7 =	vand.u32 $0x70, v7;
	v11 =	vld.idx.msk [tilespmem:v11+s16+$0x0], $0xffff;
	v4 =	vand.u32 $0xC00, v4  }
0x204: {  	v4 =	vor.u32 v7, v4;
	v7 =	vor.u32 v1, v9;
	[tilespmem:s30+$0x0] =	vst v5;
	v5 =	vmov s4  }
0x205: {  	v16 =	vor.u32 v0, v4;
	v12 =	vld.idx.msk [tilespmem:v12+s16+$0x0], $0xffff;
	v17 =	vshll.u32 v5, $0x3  }
0x206: {  	v18 =	vor.u32 v2, v8;
	v13 =	vld.idx.msk [tilespmem:v13+s16+$0x0], $0xffff;
	v5 =	vand.u32 $0x78, v5;
	v17 =	vand.u32 $0xC00, v17  }
0x207: {  	s29 =	simm.s32 $0x1A1C0;
	s5 =	simm.s32 $0x30;
	[tilespmem:s30+$0xFFFFFF90] =	vst v14;
	v5 =	vor.u32 v5, v17;
	v14 =	vor.u32 v1, v10  }
0x208: {  	[tilespmem:s29+$0xFFFFFF80] =	vst v11;
	v11 =	vld.idx.msk [tilespmem:v15+s16+$0x0], $0xffff;
	v15 =	vmov s5;
	v17 =	vor.u32 v0, v5  }
0x209: {  	v20 =	vor.u32 v3, v6;
	v7 =	vld.idx.msk [tilespmem:v7+s16+$0x0], $0xffff;
	v19 =	vshll.u32 v15, $0x3  }
0x20a: {  	v6 =	vand.u32 $0x70, v15;
	v15 =	vld.idx.msk [tilespmem:v16+s16+$0x0], $0xffff;
	v16 =	vand.u32 $0xC00, v19;
	v19 =	vor.u32 v2, v9;
	[tilespmem:s30+$0x10] =	vst v12  }
0x20b: {  	s1 =	simm.s32 $0x38;
	[tilespmem:s29+$0x0] =	vst v13;
	v12 =	vor.u32 v1, v4;
	v6 =	vor.u32 v6, v16;
	v13 =	vld.idx.msk [tilespmem:v18+s16+$0x0], $0xffff  }
0x20c: {  	v18 =	vmov s1;
	v16 =	vor.u32 v0, v6;
	v14 =	vld.idx.msk [tilespmem:v14+s16+$0x0], $0xffff  }
0x20d: {  	v8 =	vor.u32 v3, v8;
	v21 =	vshll.u32 v18, $0x3;
	v17 =	vld.idx.msk [tilespmem:v17+s16+$0x0], $0xffff;
	[tilespmem:s30+$0xFFFFFFA0] =	vst v11  }
0x20e: {  	s31 =	simm.s32 $0x1A2C0;
	v11 =	vand.u32 $0x78, v18;
	v18 =	vand.u32 $0xC00, v21;
	v21 =	vor.u32 v2, v10;
	[tilespmem:s29+$0xFFFFFF90] =	vst v7;
	v20 =	vld.idx.msk [tilespmem:v20+s16+$0x0], $0xffff  }
0x20f: {  	s4 =	simm.s32 $0x40;
	v7 =	vor.u32 v11, v18;
	v11 =	vor.u32 v1, v5;
	[tilespmem:s31+$0xFFFFFF80] =	vst v15;
	v18 =	vld.idx.msk [tilespmem:v19+s16+$0x0], $0xffff  }
0x210: {  	v22 =	vor.u32 v0, v7;
	v23 =	vld.idx.msk [tilespmem:v12+s16+$0x0], $0xffff;
	v12 =	vmov s4  }
0x211: {  	v9 =	vor.u32 v3, v9;
	[tilespmem:s30+$0x20] =	vst v13;
	v24 =	vld.idx.msk [tilespmem:v16+s16+$0x0], $0xffff;
	v15 =	vshll.u32 v12, $0x3  }
0x212: {  	v25 =	vor.u32 v2, v4;
	[tilespmem:s29+$0x10] =	vst v14;
	v13 =	vld.idx.msk [tilespmem:v8+s16+$0x0], $0xffff;
	v8 =	vand.u32 $0x70, v12;
	v12 =	vand.u32 $0xC00, v15  }
0x213: {  	s5 =	simm.s32 $0x48;
	[tilespmem:s31+$0x0] =	vst v17;
	v14 =	vld.idx.msk [tilespmem:v21+s16+$0x0], $0xffff;
	v17 =	vor.u32 v1, v6;
	v8 =	vor.u32 v8, v12  }
0x214: {  	v16 =	vmov s5;
	v15 =	vld.idx.msk [tilespmem:v11+s16+$0x0], $0xffff;
	[tilespmem:s30+$0xFFFFFFB0] =	vst v20;
	v19 =	vor.u32 v0, v8  }
0x215: {  	v10 =	vor.u32 v3, v10;
	v11 =	vshll.u32 v16, $0x3;
	v12 =	vld.idx.msk [tilespmem:v22+s16+$0x0], $0xffff;
	[tilespmem:s29+$0xFFFFFFA0] =	vst v18  }
0x216: {  	s0 =	simm.s32 $0x1A3C0;
	v18 =	vand.u32 $0x78, v16;
	v20 =	vand.u32 $0xC00, v11;
	v11 =	vor.u32 v2, v5;
	[tilespmem:s31+$0xFFFFFF90] =	vst v23;
	v16 =	vld.idx.msk [tilespmem:v9+s16+$0x0], $0xffff  }
0x217: {  	s1 =	simm.s32 $0x8;
	s4 =	simm.s32 $0x50;
	v9 =	vor.u32 v18, v20;
	v20 =	vor.u32 v1, v7;
	[tilespmem:s0+$0xFFFFFF80] =	vst v24;
	v18 =	vld.idx.msk [tilespmem:v25+s16+$0x0], $0xffff  }
.LBB2_16:
0x218: {  	v21 =	vmov s4;
	s1 =	sadd.s32 $0x2, s1;
	v22 =	vor.u32 v0, v9;
	v23 =	vld.idx.msk [tilespmem:v17+s16+$0x0], $0xffff;
	[tilespmem:s30+$0x30] =	vst v13;
	s30 =	smov.u32 s29;
	s29 =	smov.u32 s31  }
0x219: {  	v24 =	vor.u32 v3, v4;
	v4 =	vmovc v6;
	s31 =	smov.u32 s0;
	v17 =	vand.u32 $0x70, v21;
	v13 =	vshll.u32 v21, $0x3;
	p0 =	slt.u32 s1, $0x3E;
	v21 =	vld.idx.msk [tilespmem:v19+s16+$0x0], $0xffff;
	[tilespmem:s30+$0x20] =	vst v14  }
0x21a: {  	v6 =	vmov v8;
	v25 =	vor.u32 v2, v4;
	v14 =	vand.u32 $0xC00, v13;
	[tilespmem:s29+$0x10] =	vst v15;
	v13 =	vld.idx.msk [tilespmem:v10+s16+$0x0], $0xffff  }
.Ltmp7:
0x21b: {  	s5 =	sadd.s32 $0x8, s4;
	v8 =	vor.u32 v17, v14;
	v17 =	vor.u32 v1, v6;
	[tilespmem:s0+$0x0] =	vst v12;
	v14 =	vld.idx.msk [tilespmem:v11+s16+$0x0], $0xffff;
	(pc) =	sbr.rel @p0 .LBB2_16-.Ltmp7, $4  }
0x21c: {  	v11 =	vmov s5;
	v19 =	vor.u32 v0, v8;
	v15 =	vld.idx.msk [tilespmem:v20+s16+$0x0], $0xffff;
	[tilespmem:s30+$0xFFFFFFB0] =	vst v16  }
0x21d: {  	v10 =	vor.u32 v3, v5;
	v5 =	vmovc v7;
	v7 =	vmov v9;
	v16 =	vshll.u32 v11, $0x3;
	v12 =	vld.idx.msk [tilespmem:v22+s16+$0x0], $0xffff;
	[tilespmem:s29+$0xFFFFFFA0] =	vst v18  }
0x21e: {  	s0 =	sadd.s32 $0x100, s0;
	v9 =	vand.u32 $0x78, v11;
	v11 =	vor.u32 v2, v5;
	v18 =	vand.u32 $0xC00, v16;
	[tilespmem:s31+$0xFFFFFF90] =	vst v23;
	v16 =	vld.idx.msk [tilespmem:v24+s16+$0x0], $0xffff  }
0x21f: {  	s4 =	sadd.s32 $0x10, s4;
	v20 =	vor.u32 v1, v7;
	v9 =	vor.u32 v9, v18;
	[tilespmem:s0+$0xFFFFFF80] =	vst v21;
	v18 =	vld.idx.msk [tilespmem:v25+s16+$0x0], $0xffff  }
0x220: {  	v21 =	vor.u32 v0, v9;
	_ =	sdelay $0x3  }
0x221: {  	v19 =	vld.idx.msk [tilespmem:v19+s16+$0x0], $0xffff  }
0x222: {  	[tilespmem:s30+$0x30] =	vst v13;
	v50 =	vor.u32 v1, v8;
	v21 =	vld.idx.msk [tilespmem:v21+s16+$0x0], $0xffff  }
0x223: {  	[tilespmem:s29+$0x20] =	vst v14;
	v51 =	vor.u32 v1, v9  }
0x224: {  	[tilespmem:s31+$0x10] =	vst v15  }
0x225: {  	v52 =	vld.idx.msk [tilespmem:v17+s16+$0x0], $0xffff;
	s1 =	sadd.s32 $0x100, s0;
	[tilespmem:s0+$0x0] =	vst v12  }
0x226: {  	v53 =	vor.u32 v2, v6;
	v54 =	vld.idx.msk [tilespmem:v20+s16+$0x0], $0xffff;
	[tilespmem:s1+$0xFFFFFF80] =	vst v19  }
0x227: {  	v55 =	vor.u32 v2, v7;
	v13 =	vld.idx.msk [tilespmem:v50+s16+$0x0], $0xffff;
	[tilespmem:s1+$0x0] =	vst v21  }
0x228: {  	v56 =	vor.u32 v2, v8;
	[tilespmem:s29+$0xFFFFFFB0] =	vst v16;
	v14 =	vld.idx.msk [tilespmem:v51+s16+$0x0], $0xffff  }
0x229: {  	v57 =	vor.u32 v2, v9;
	v10 =	vld.idx.msk [tilespmem:v10+s16+$0x0], $0xffff;
	[tilespmem:s31+$0xFFFFFFA0] =	vst v18  }
0x22a: {  	v4 =	vor.u32 v3, v4;
	v11 =	vld.idx.msk [tilespmem:v11+s16+$0x0], $0xffff;
	[tilespmem:s0+$0xFFFFFF90] =	vst v52  }
0x22b: {  	v5 =	vor.u32 v3, v5;
	v12 =	vld.idx.msk [tilespmem:v53+s16+$0x0], $0xffff;
	[tilespmem:s0+$0x10] =	vst v54  }
0x22c: {  	v58 =	vor.u32 v3, v6;
	v59 =	vld.idx.msk [tilespmem:v55+s16+$0x0], $0xffff;
	[tilespmem:s1+$0xFFFFFF90] =	vst v13  }
0x22d: {  	v60 =	vor.u32 v3, v7;
	v13 =	vld.idx.msk [tilespmem:v56+s16+$0x0], $0xffff;
	[tilespmem:s1+$0x10] =	vst v14  }
0x22e: {  	v61 =	vor.u32 v3, v8;
	[tilespmem:s29+$0x30] =	vst v10;
	v62 =	vld.idx.msk [tilespmem:v57+s16+$0x0], $0xffff  }
0x22f: {  	v63 =	vor.u32 v3, v9;
	v4 =	vld.idx.msk [tilespmem:v4+s16+$0x0], $0xffff;
	[tilespmem:s31+$0x20] =	vst v11  }
0x230: {  	v5 =	vld.idx.msk [tilespmem:v5+s16+$0x0], $0xffff;
	[tilespmem:s0+$0xFFFFFFA0] =	vst v12  }
0x231: {  	v6 =	vld.idx.msk [tilespmem:v58+s16+$0x0], $0xffff;
	[tilespmem:s0+$0x20] =	vst v59  }
0x232: {  	v7 =	vld.idx.msk [tilespmem:v60+s16+$0x0], $0xffff;
	[tilespmem:s1+$0xFFFFFFA0] =	vst v13  }
0x233: {  	v8 =	vld.idx.msk [tilespmem:v61+s16+$0x0], $0xffff;
	[tilespmem:s1+$0x20] =	vst v62  }
0x234: {  	[tilespmem:s31+$0xFFFFFFB0] =	vst v4;
	v4 =	vld.idx.msk [tilespmem:v63+s16+$0x0], $0xffff  }
0x235: {  	[tilespmem:s31+$0x30] =	vst v5  }
0x236: {  	[tilespmem:s0+$0xFFFFFFB0] =	vst v6  }
0x237: {  	[tilespmem:s0+$0x30] =	vst v7  }
0x238: {  	[tilespmem:s1+$0xFFFFFFB0] =	vst v8  }
0x239: {  	s28 =	sadd.s32 $0x1, s28;
	[tilespmem:s1+$0x30] =	vst v4  }
0x23a: {  	[hbm4b:s14+s20] =	stream.strided.scatter [tilespmem:s24], [sflag:$0x5], $0x2000, s21, s20, $0x38;
	[tilespmem:$0x1C000] =	vst v63  }
0x23b: {  	p0 =	sne.s32 s28, s15;
	_ =	swait.ge [sflag:s25], $0x2000  }
.Ltmp8:
0x23c: {  	[sflag:s25] =	ssyncset.done $0x0;
	(pc) =	sbr.rel @p0 .LBB2_1-.Ltmp8, $4  }
0x23d: {  	[sflag:s25] =	ssyncadd.s32 $0xFFFFE000  }
0x23e: {  	_ =	swait.ge [sflag:s26], $0x2000  }
0x23f: {  	[sflag:s26] =	ssyncset.done $0x0  }
0x240: {  	[sflag:s26] =	ssyncadd.s32 $0xFFFFE000  }
0x241: {  	_ =	sfence.sel $0x180000  }
0x242: {  	[bflag:$0x0] =	sbarrier.arrive $0xFFFF  }
0x243: {  	_ =	strace $0x90000047  }
0x244: {  	s0 =	stileid.u32;
	[bflag:$0x2] =	sbarrier.arrive $0xFFFF  }
0x245: {  	p0 =	sne.s32 s0, $0x0;
	s0 =	rddreg [dreg:$0x2]  }
0x246: {  	s0 =	sadd.s32 @!p0 $0x100000, s0  }
0x247: {  	[sflag:s0] =	ssyncadd.tile.s32 @!p0 $0x1;
	_ =	shalt  }
.Lfunc_end2:
_tile_overlayer_lowered:
.L_overlay_start_2:
0x248: {  	(tag) =	ssettag $0x2  }
0x249: {  	s0 =	rddreg [dreg:$0x0];
	s2 =	stileid.u32  }
0x24a: {  	s1 =	rddreg [dreg:$0x1];
	p0 =	sne.s32 s2, $0x0  }
0x24b: {  	s3 =	rddreg [dreg:$0x2];
	[bflag:$0x3] =	sbarrier.arrive $0xFFFF;
	s2 =	simm.s32 @!p0 $0x1C06  }
0x24c: {  	[timem:s3], [sflag:s2] =	dma.local @!p0 [hbm:s0], s1  }
0x24d: {  	s0 =	simm.s32 @!p0 $0x6  }
0x24e: {  	_ =	swait.ge @!p0 [sflag:s0], s1  }
0x24f: {  	s1 =	ssub.s32 @!p0 $0x0, s1;
	[sflag:s0] =	ssyncset.done @!p0 $0x0  }
0x250: {  	[sflag:s0] =	ssyncadd.s32 @!p0 s1  }
0x251: {  	[bflag:$0x3] =	sbarrier.arrive $0xFFFF  }
0x252: {  	_ =	shalt  }

</sc_bundles>
